<compile_context>
chip_gen: v7x
topology: tpu7x:2x2x1
jax: 0.10.2.dev20260603
libtpu: 0.0.44.dev20260713+nightly
codegen_flags: <defaults>
</compile_context>

<pallas_src>
import functools

import jax
import jax.numpy as jnp
from jax import lax
from jax.experimental import pallas as pl
from jax.experimental.pallas import tpu as pltpu
from jax.experimental.pallas import tpu_sc as plsc

_NC = 2
_NS = 16
_NW = _NC * _NS
_CH = 80
_NBUF = 4
_SLAB = 632


def _make_phase1(n_edges, n_nodes, d):
    nchunk = n_edges // _CH
    ch_per_tile = nchunk // _NW
    ch_rem = nchunk % _NW
    n_groups = (ch_per_tile + 1 + _NBUF - 1) // _NBUF
    last_slab = n_nodes - (_NS - 1) * _SLAB
    mesh = plsc.VectorSubcoreMesh(core_axis_name="c", subcore_axis_name="s")

    @functools.partial(
        pl.kernel,
        mesh=mesh,
        out_type=(
            jax.ShapeDtypeStruct((_NC, n_nodes, d), jnp.float32),
            jax.ShapeDtypeStruct((_NC, n_nodes), jnp.float32),
        ),
        scratch_types=(
            [pltpu.VMEM((_CH,), jnp.int32) for _ in range(_NBUF)]
            + [pltpu.VMEM((_CH, d), jnp.float32) for _ in range(_NBUF)]
            + [pltpu.VMEM((_CH,), jnp.float32),
               pltpu.VMEM_SHARED((n_nodes, d), jnp.float32),
               pltpu.VMEM_SHARED((n_nodes,), jnp.float32)]
            + [pltpu.SemaphoreType.DMA for _ in range(2 * _NBUF)]
        ),
    )
    def phase1(energy, centers, sums_out, cnts_out, *refs):
        idx = refs[:_NBUF]
        rows = refs[_NBUF:2 * _NBUF]
        ones_v = refs[2 * _NBUF]
        acc_sh = refs[2 * _NBUF + 1]
        cnt_sh = refs[2 * _NBUF + 2]
        sems = refs[2 * _NBUF + 3:3 * _NBUF + 3]
        csems = refs[3 * _NBUF + 3:]

        cid = lax.axis_index("c")
        sid = lax.axis_index("s")
        wid = sid * _NC + cid
        slab = sid * _SLAB

        n_ch = ch_per_tile + jnp.where(wid < ch_rem, 1, 0)

        def issue_loads(o, b):
            base = (wid + o * _NW) * _CH
            pltpu.async_copy(centers.at[pl.ds(base, _CH)], idx[b], sems[b])
            pltpu.async_copy(energy.at[pl.ds(base, _CH)], rows[b], sems[b])

        def issue_idx(o, b):
            base = (wid + o * _NW) * _CH
            pltpu.async_copy(centers.at[pl.ds(base, _CH)], idx[b], sems[b])

        def issue_rows(o, b):
            base = (wid + o * _NW) * _CH
            pltpu.async_copy(energy.at[pl.ds(base, _CH)], rows[b], sems[b])

        @pl.when(0 < n_ch)
        def _():
            issue_idx(0, 0)

        for b in range(1, _NBUF):
            @pl.when(b < n_ch)
            def _():
                issue_loads(b, b)

        zv = jnp.zeros((16,), jnp.float32)

        def zrow(i, carry):
            for j in range(d // 16):
                rows[0][i, pl.ds(j * 16, 16)] = zv
            return carry

        lax.fori_loop(0, _CH, zrow, 0)

        def zero_slab(length):
            full = length // _CH
            tail = length - full * _CH
            for k in range(full):
                pltpu.sync_copy(rows[0],
                                acc_sh.at[pl.ds(slab + k * _CH, _CH)])
            if tail:
                pltpu.sync_copy(rows[0].at[pl.ds(0, tail)],
                                acc_sh.at[pl.ds(slab + full * _CH, tail)])
            cfull = length // d
            ctail = length - cfull * d
            for k in range(cfull):
                pltpu.sync_copy(rows[0].at[k],
                                cnt_sh.at[pl.ds(slab + k * d, d)])
            if ctail:
                pltpu.sync_copy(rows[0].at[cfull, pl.ds(0, ctail)],
                                cnt_sh.at[pl.ds(slab + cfull * d, ctail)])

        @pl.when(sid < _NS - 1)
        def _():
            zero_slab(_SLAB)

        @pl.when(sid == _NS - 1)
        def _():
            zero_slab(last_slab)

        for j in range(_CH // 16):
            ones_v[pl.ds(j * 16, 16)] = jnp.full((16,), 1.0, jnp.float32)

        @pl.when(0 < n_ch)
        def _():
            issue_rows(0, 0)

        plsc.subcore_barrier()

        def wait_loads(b):
            pltpu.make_async_copy(centers.at[pl.ds(0, _CH)], idx[b],
                                  sems[b]).wait()
            pltpu.make_async_copy(energy.at[pl.ds(0, _CH)], rows[b],
                                  sems[b]).wait()

        def scatter(b):
            pltpu.async_copy(ones_v, cnt_sh.at[idx[b]], csems[b], add=True)
            pltpu.sync_copy(rows[b], acc_sh.at[idx[b]], add=True)
            pltpu.make_async_copy(ones_v, cnt_sh.at[idx[b]],
                                  csems[b]).wait()

        def group_step(j, carry):
            for b in range(_NBUF):
                o = _NBUF * j + b

                @pl.when(o < n_ch)
                def _():
                    wait_loads(b)
                    scatter(b)

                    @pl.when(o + _NBUF < n_ch)
                    def _():
                        issue_loads(o + _NBUF, b)
            return carry

        lax.fori_loop(0, n_groups, group_step, 0)
        plsc.subcore_barrier()

        def write_slab(length):
            pltpu.sync_copy(
                acc_sh.at[pl.ds(slab, length)],
                sums_out.at[cid, pl.ds(slab, length)],
            )

        @pl.when(sid < _NS - 1)
        def _():
            write_slab(_SLAB)

        @pl.when(sid == _NS - 1)
        def _():
            write_slab(last_slab)

        @pl.when(sid == 0)
        def _():
            pltpu.sync_copy(cnt_sh, cnts_out.at[cid])

    return phase1


def _make_phase2(n_nodes, d, rblk):
    def body(f_ref, p_ref, c_ref, o_ref):
        s = p_ref[0] + p_ref[1]
        c = c_ref[0] + c_ref[1]
        o_ref[...] = (s / jnp.maximum(c, 1.0)) * f_ref[0]

    return pl.pallas_call(
        body,
        grid=(n_nodes // rblk,),
        in_specs=[
            pl.BlockSpec(memory_space=pltpu.SMEM),
            pl.BlockSpec((_NC, rblk, d), lambda i: (0, i, 0)),
            pl.BlockSpec((_NC, rblk, 1), lambda i: (0, i, 0)),
        ],
        out_specs=pl.BlockSpec((rblk, d), lambda i: (i, 0)),
        out_shape=jax.ShapeDtypeStruct((n_nodes, d), jnp.float32),
    )


def kernel(edge_energy, edge_index, atom_type, avg_num_neighbors):
    n_edges, d = edge_energy.shape
    n_nodes = atom_type.shape[0]
    if edge_index.dtype != jnp.int32:
        edge_index = edge_index.astype(jnp.int32)
    centers_flat = edge_index.reshape(-1)
    sums, cnts = _make_phase1(n_edges, n_nodes, d)(edge_energy, centers_flat)
    factor = (1.0 / jnp.sqrt(jnp.asarray(avg_num_neighbors, jnp.float32)))
    factor = factor.reshape(1)
    cnts3 = cnts.reshape(_NC, n_nodes, 1)
    return _make_phase2(n_nodes, d, 2000)(factor, sums, cnts3)

# --- scband reference (transcript-rebuilt; emitter-appended) ---
"""Pipeline reference for scband-edgewise-energy-sum-49976239456288 (READ-ONLY COPY).

The authoritative reference and input builder live on the scoring server;
editing this copy changes nothing except your own understanding.
"""

import jax, jax.numpy as jnp
import numpy as np
import math

N_NODES = 10000
N_EDGES = 320000
EMBED_DIM = 128


def setup_inputs(seed: int = 0) -> dict:
    key = jax.random.key(seed)
    k1, k2, k3 = jax.random.split(key, 3)
    edge_energy = jax.random.normal(k1, (N_EDGES, EMBED_DIM), dtype=jnp.float32)
    edge_index = jax.random.randint(k2, (2, N_EDGES), 0, N_NODES, dtype=jnp.int64)
    atom_type = jax.random.randint(k3, (N_NODES, 1), 0, 10, dtype=jnp.int64)
    return {
        "edge_energy": edge_energy,
        "edge_index": edge_index,
        "atom_type": atom_type,
        "avg_num_neighbors": 32,
    }


def reference(edge_energy, edge_index, atom_type, avg_num_neighbors):
    # EdgewiseEnergySum.forward: scatter-mean edge energies onto center nodes,
    # then scale by 1/sqrt(avg_num_neighbors).
    num_nodes = atom_type.shape[0]
    edge_center = edge_index[0]
    # scatter reduce='mean' == segment_sum / per-node edge counts (count clamped to >=1)
    sums = jax.ops.segment_sum(edge_energy, edge_center, num_segments=num_nodes)
    counts = jax.ops.segment_sum(
        jnp.ones((edge_energy.shape[0],), dtype=edge_energy.dtype),
        edge_center,
        num_segments=num_nodes,
    )
    atom_eng = sums / jnp.maximum(counts, 1.0)[:, None]
    factor = (1.0 / jnp.sqrt(jnp.asarray(avg_num_neighbors, jnp.float64))).astype(
        atom_eng.dtype
    )
    atom_eng = atom_eng * factor
    return atom_eng

if __name__ == "__main__":
    import jax
    _d = setup_inputs()
    print(jax.jit(kernel)(*tuple(_d.values())))

</pallas_src>

<mosaic_0001>
#map = affine_map<(d0, d1) -> (0, 0)>
#map1 = affine_map<(d0, d1) -> (0)>
#map2 = affine_map<(d0, d1) -> (0, 0, 0)>
module attributes {stable_mosaic.version = 14 : i64} {
  func.func @phase1(%arg0: i32, %arg1: i32, %arg2: memref<320000x128xf32, #tpu.memory_space<hbm>>, %arg3: memref<640000xi32, #tpu.memory_space<hbm>>, %arg4: memref<2x10000x128xf32, #tpu.memory_space<hbm>>, %arg5: memref<2x10000xf32, #tpu.memory_space<hbm>>, %arg6: memref<80xi32, #tpu.memory_space<vmem>>, %arg7: memref<80xi32, #tpu.memory_space<vmem>>, %arg8: memref<80xi32, #tpu.memory_space<vmem>>, %arg9: memref<80xi32, #tpu.memory_space<vmem>>, %arg10: memref<80x128xf32, #tpu.memory_space<vmem>>, %arg11: memref<80x128xf32, #tpu.memory_space<vmem>>, %arg12: memref<80x128xf32, #tpu.memory_space<vmem>>, %arg13: memref<80x128xf32, #tpu.memory_space<vmem>>, %arg14: memref<80xf32, #tpu.memory_space<vmem>>, %arg15: memref<10000x128xf32, #tpu.memory_space<vmem_shared>>, %arg16: memref<10000xf32, #tpu.memory_space<vmem_shared>>, %arg17: memref<!tpu.dma_semaphore, #tpu.memory_space<semaphore_mem>>, %arg18: memref<!tpu.dma_semaphore, #tpu.memory_space<semaphore_mem>>, %arg19: memref<!tpu.dma_semaphore, #tpu.memory_space<semaphore_mem>>, %arg20: memref<!tpu.dma_semaphore, #tpu.memory_space<semaphore_mem>>, %arg21: memref<!tpu.dma_semaphore, #tpu.memory_space<semaphore_mem>>, %arg22: memref<!tpu.dma_semaphore, #tpu.memory_space<semaphore_mem>>, %arg23: memref<!tpu.dma_semaphore, #tpu.memory_space<semaphore_mem>>, %arg24: memref<!tpu.dma_semaphore, #tpu.memory_space<semaphore_mem>>) attributes {dimension_semantics = [#tpu.dimension_semantics<core_parallel>, #tpu.dimension_semantics<subcore_parallel>], iteration_bounds = array<i64: 2, 16>, scalar_prefetch = 0 : i64, scratch_operands = 19 : i64, tpu.core_type = #tpu.core_type<sc_vector_subcore>, window_params = [{transform_indices = #map}, {transform_indices = #map1}, {transform_indices = #map2}, {transform_indices = #map}]} {
    %mul3A = arith.constant 2 : i32
    %mul3A_0 = arith.muli %arg1, %mul3A : i32
    %add3A = arith.addi %mul3A_0, %arg0 : i32
    %mul3A_1 = arith.constant 632 : i32
    %mul3A_2 = arith.muli %arg1, %mul3A_1 : i32
    %lt3A = arith.constant 0 : i32
    %lt3A_3 = arith.cmpi slt, %add3A, %lt3A : i32
    %jit3A = arith.constant 1 : i32
    %jit3A_4 = arith.constant 0 : i32
    %select_n3A = arith.select %lt3A_3, %jit3A, %jit3A_4 : i32
    %add3A_5 = arith.constant 125 : i32
    %add3A_6 = arith.addi %add3A_5, %select_n3A : i32
    %gt3A = arith.constant 0 : i32
    %gt3A_7 = arith.cmpi sgt, %add3A_6, %gt3A : i32
    %convert_element_type3A = arith.extui %gt3A_7 : i1 to i32
    %cond3A = arith.constant 0 : i32
    %cond3A_8 = arith.cmpi ne, %convert_element_type3A, %cond3A : i32
    scf.if %cond3A_8 {
      %add3A_95 = arith.constant 0 : i32
      %add3A_96 = arith.addi %add3A, %add3A_95 : i32
      %mul3A_97 = arith.constant 80 : i32
      %mul3A_98 = arith.muli %add3A_96, %mul3A_97 : i32
      %dma_start3A = tpu.memref_slice %arg3[%mul3A_98] : memref<640000xi32, #tpu.memory_space<hbm>> -> memref<80xi32, #tpu.memory_space<hbm>>
      %dma_start3A_99 = tpu.memref_slice %arg3[%mul3A_98] : memref<640000xi32, #tpu.memory_space<hbm>> -> memref<80xi32, #tpu.memory_space<hbm>>
      tpu.enqueue_dma source(%dma_start3A_99 : memref<80xi32, #tpu.memory_space<hbm>>) target(%arg6 : memref<80xi32, #tpu.memory_space<vmem>>) target_semaphore(%arg17 : memref<!tpu.dma_semaphore, #tpu.memory_space<semaphore_mem>>)
    } else {
    }
    %gt3A_9 = arith.constant 1 : i32
    %gt3A_10 = arith.cmpi sgt, %add3A_6, %gt3A_9 : i32
    %convert_element_type3A_11 = arith.extui %gt3A_10 : i1 to i32
    %cond3A_12 = arith.constant 0 : i32
    %cond3A_13 = arith.cmpi ne, %convert_element_type3A_11, %cond3A_12 : i32
    scf.if %cond3A_13 {
      %add3A_95 = arith.constant 32 : i32
      %add3A_96 = arith.addi %add3A, %add3A_95 : i32
      %mul3A_97 = arith.constant 80 : i32
      %mul3A_98 = arith.muli %add3A_96, %mul3A_97 : i32
      %dma_start3A = tpu.memref_slice %arg3[%mul3A_98] : memref<640000xi32, #tpu.memory_space<hbm>> -> memref<80xi32, #tpu.memory_space<hbm>>
      %dma_start3A_99 = tpu.memref_slice %arg3[%mul3A_98] : memref<640000xi32, #tpu.memory_space<hbm>> -> memref<80xi32, #tpu.memory_space<hbm>>
      tpu.enqueue_dma source(%dma_start3A_99 : memref<80xi32, #tpu.memory_space<hbm>>) target(%arg7 : memref<80xi32, #tpu.memory_space<vmem>>) target_semaphore(%arg18 : memref<!tpu.dma_semaphore, #tpu.memory_space<semaphore_mem>>)
      %dma_start3A_100 = arith.constant 0 : i32
      %dma_start3A_101 = tpu.memref_slice %arg2[%mul3A_98, %dma_start3A_100] : memref<320000x128xf32, #tpu.memory_space<hbm>> -> memref<80x128xf32, #tpu.memory_space<hbm>>
      %dma_start3A_102 = arith.constant 0 : i32
      %dma_start3A_103 = tpu.memref_slice %arg2[%mul3A_98, %dma_start3A_102] : memref<320000x128xf32, #tpu.memory_space<hbm>> -> memref<80x128xf32, #tpu.memory_space<hbm>>
      tpu.enqueue_dma source(%dma_start3A_103 : memref<80x128xf32, #tpu.memory_space<hbm>>) target(%arg11 : memref<80x128xf32, #tpu.memory_space<vmem>>) target_semaphore(%arg18 : memref<!tpu.dma_semaphore, #tpu.memory_space<semaphore_mem>>)
    } else {
    }
    %gt3A_14 = arith.constant 2 : i32
    %gt3A_15 = arith.cmpi sgt, %add3A_6, %gt3A_14 : i32
    %convert_element_type3A_16 = arith.extui %gt3A_15 : i1 to i32
    %cond3A_17 = arith.constant 0 : i32
    %cond3A_18 = arith.cmpi ne, %convert_element_type3A_16, %cond3A_17 : i32
    scf.if %cond3A_18 {
      %add3A_95 = arith.constant 64 : i32
      %add3A_96 = arith.addi %add3A, %add3A_95 : i32
      %mul3A_97 = arith.constant 80 : i32
      %mul3A_98 = arith.muli %add3A_96, %mul3A_97 : i32
      %dma_start3A = tpu.memref_slice %arg3[%mul3A_98] : memref<640000xi32, #tpu.memory_space<hbm>> -> memref<80xi32, #tpu.memory_space<hbm>>
      %dma_start3A_99 = tpu.memref_slice %arg3[%mul3A_98] : memref<640000xi32, #tpu.memory_space<hbm>> -> memref<80xi32, #tpu.memory_space<hbm>>
      tpu.enqueue_dma source(%dma_start3A_99 : memref<80xi32, #tpu.memory_space<hbm>>) target(%arg8 : memref<80xi32, #tpu.memory_space<vmem>>) target_semaphore(%arg19 : memref<!tpu.dma_semaphore, #tpu.memory_space<semaphore_mem>>)
      %dma_start3A_100 = arith.constant 0 : i32
      %dma_start3A_101 = tpu.memref_slice %arg2[%mul3A_98, %dma_start3A_100] : memref<320000x128xf32, #tpu.memory_space<hbm>> -> memref<80x128xf32, #tpu.memory_space<hbm>>
      %dma_start3A_102 = arith.constant 0 : i32
      %dma_start3A_103 = tpu.memref_slice %arg2[%mul3A_98, %dma_start3A_102] : memref<320000x128xf32, #tpu.memory_space<hbm>> -> memref<80x128xf32, #tpu.memory_space<hbm>>
      tpu.enqueue_dma source(%dma_start3A_103 : memref<80x128xf32, #tpu.memory_space<hbm>>) target(%arg12 : memref<80x128xf32, #tpu.memory_space<vmem>>) target_semaphore(%arg19 : memref<!tpu.dma_semaphore, #tpu.memory_space<semaphore_mem>>)
    } else {
    }
    %gt3A_19 = arith.constant 3 : i32
    %gt3A_20 = arith.cmpi sgt, %add3A_6, %gt3A_19 : i32
    %convert_element_type3A_21 = arith.extui %gt3A_20 : i1 to i32
    %cond3A_22 = arith.constant 0 : i32
    %cond3A_23 = arith.cmpi ne, %convert_element_type3A_21, %cond3A_22 : i32
    scf.if %cond3A_23 {
      %add3A_95 = arith.constant 96 : i32
      %add3A_96 = arith.addi %add3A, %add3A_95 : i32
      %mul3A_97 = arith.constant 80 : i32
      %mul3A_98 = arith.muli %add3A_96, %mul3A_97 : i32
      %dma_start3A = tpu.memref_slice %arg3[%mul3A_98] : memref<640000xi32, #tpu.memory_space<hbm>> -> memref<80xi32, #tpu.memory_space<hbm>>
      %dma_start3A_99 = tpu.memref_slice %arg3[%mul3A_98] : memref<640000xi32, #tpu.memory_space<hbm>> -> memref<80xi32, #tpu.memory_space<hbm>>
      tpu.enqueue_dma source(%dma_start3A_99 : memref<80xi32, #tpu.memory_space<hbm>>) target(%arg9 : memref<80xi32, #tpu.memory_space<vmem>>) target_semaphore(%arg20 : memref<!tpu.dma_semaphore, #tpu.memory_space<semaphore_mem>>)
      %dma_start3A_100 = arith.constant 0 : i32
      %dma_start3A_101 = tpu.memref_slice %arg2[%mul3A_98, %dma_start3A_100] : memref<320000x128xf32, #tpu.memory_space<hbm>> -> memref<80x128xf32, #tpu.memory_space<hbm>>
      %dma_start3A_102 = arith.constant 0 : i32
      %dma_start3A_103 = tpu.memref_slice %arg2[%mul3A_98, %dma_start3A_102] : memref<320000x128xf32, #tpu.memory_space<hbm>> -> memref<80x128xf32, #tpu.memory_space<hbm>>
      tpu.enqueue_dma source(%dma_start3A_103 : memref<80x128xf32, #tpu.memory_space<hbm>>) target(%arg13 : memref<80x128xf32, #tpu.memory_space<vmem>>) target_semaphore(%arg20 : memref<!tpu.dma_semaphore, #tpu.memory_space<semaphore_mem>>)
    } else {
    }
    %broadcast_in_dim3A = arith.constant 0.000000e+00 : f32
    %broadcast_in_dim3A_24 = vector.broadcast %broadcast_in_dim3A : f32 to vector<16xf32>
    %scan3A = arith.constant 0 : i32
    %scan3A_25 = arith.constant 0 : i32
    %scan3A_26 = arith.constant 80 : i32
    %scan3A_27 = arith.addi %scan3A_25, %scan3A_26 : i32
    %scan3A_28 = arith.constant 1 : i32
    scf.for %scan3A_95 = %scan3A_25 to %scan3A_27 step %scan3A_28  : i32 {
      %swap3A_96 = arith.index_cast %scan3A_95 : i32 to index
      %swap3A_97 = arith.constant 0 : index
      %swap3A_98 = tpu.vector_load %arg10[%swap3A_96, %swap3A_97] {strides = array<i32>} : memref<80x128xf32, #tpu.memory_space<vmem>>, vector<1x16xf32>,
      %swap3A_99 = vector.shape_cast %swap3A_98 : vector<1x16xf32> to vector<16xf32>
      %swap3A_100 = vector.shape_cast %broadcast_in_dim3A_24 : vector<16xf32> to vector<1x16xf32>
      tpu.vector_store %arg10[%swap3A_96, %swap3A_97], %swap3A_100 {strides = array<i32>} : memref<80x128xf32, #tpu.memory_space<vmem>>, vector<1x16xf32>,
      %swap3A_101 = arith.index_cast %scan3A_95 : i32 to index
      %swap3A_102 = arith.constant 16 : index
      %swap3A_103 = tpu.vector_load %arg10[%swap3A_101, %swap3A_102] {strides = array<i32>} : memref<80x128xf32, #tpu.memory_space<vmem>>, vector<1x16xf32>,
      %swap3A_104 = vector.shape_cast %swap3A_103 : vector<1x16xf32> to vector<16xf32>
      %swap3A_105 = vector.shape_cast %broadcast_in_dim3A_24 : vector<16xf32> to vector<1x16xf32>
      tpu.vector_store %arg10[%swap3A_101, %swap3A_102], %swap3A_105 {strides = array<i32>} : memref<80x128xf32, #tpu.memory_space<vmem>>, vector<1x16xf32>,
      %swap3A_106 = arith.index_cast %scan3A_95 : i32 to index
      %swap3A_107 = arith.constant 32 : index
      %swap3A_108 = tpu.vector_load %arg10[%swap3A_106, %swap3A_107] {strides = array<i32>} : memref<80x128xf32, #tpu.memory_space<vmem>>, vector<1x16xf32>,
      %swap3A_109 = vector.shape_cast %swap3A_108 : vector<1x16xf32> to vector<16xf32>
      %swap3A_110 = vector.shape_cast %broadcast_in_dim3A_24 : vector<16xf32> to vector<1x16xf32>
      tpu.vector_store %arg10[%swap3A_106, %swap3A_107], %swap3A_110 {strides = array<i32>} : memref<80x128xf32, #tpu.memory_space<vmem>>, vector<1x16xf32>,
      %swap3A_111 = arith.index_cast %scan3A_95 : i32 to index
      %swap3A_112 = arith.constant 48 : index
      %swap3A_113 = tpu.vector_load %arg10[%swap3A_111, %swap3A_112] {strides = array<i32>} : memref<80x128xf32, #tpu.memory_space<vmem>>, vector<1x16xf32>,
      %swap3A_114 = vector.shape_cast %swap3A_113 : vector<1x16xf32> to vector<16xf32>
      %swap3A_115 = vector.shape_cast %broadcast_in_dim3A_24 : vector<16xf32> to vector<1x16xf32>
      tpu.vector_store %arg10[%swap3A_111, %swap3A_112], %swap3A_115 {strides = array<i32>} : memref<80x128xf32, #tpu.memory_space<vmem>>, vector<1x16xf32>,
      %swap3A_116 = arith.index_cast %scan3A_95 : i32 to index
      %swap3A_117 = arith.constant 64 : index
      %swap3A_118 = tpu.vector_load %arg10[%swap3A_116, %swap3A_117] {strides = array<i32>} : memref<80x128xf32, #tpu.memory_space<vmem>>, vector<1x16xf32>,
      %swap3A_119 = vector.shape_cast %swap3A_118 : vector<1x16xf32> to vector<16xf32>
      %swap3A_120 = vector.shape_cast %broadcast_in_dim3A_24 : vector<16xf32> to vector<1x16xf32>
      tpu.vector_store %arg10[%swap3A_116, %swap3A_117], %swap3A_120 {strides = array<i32>} : memref<80x128xf32, #tpu.memory_space<vmem>>, vector<1x16xf32>,
      %swap3A_121 = arith.index_cast %scan3A_95 : i32 to index
      %swap3A_122 = arith.constant 80 : index
      %swap3A_123 = tpu.vector_load %arg10[%swap3A_121, %swap3A_122] {strides = array<i32>} : memref<80x128xf32, #tpu.memory_space<vmem>>, vector<1x16xf32>,
      %swap3A_124 = vector.shape_cast %swap3A_123 : vector<1x16xf32> to vector<16xf32>
      %swap3A_125 = vector.shape_cast %broadcast_in_dim3A_24 : vector<16xf32> to vector<1x16xf32>
      tpu.vector_store %arg10[%swap3A_121, %swap3A_122], %swap3A_125 {strides = array<i32>} : memref<80x128xf32, #tpu.memory_space<vmem>>, vector<1x16xf32>,
      %swap3A_126 = arith.index_cast %scan3A_95 : i32 to index
      %swap3A_127 = arith.constant 96 : index
      %swap3A_128 = tpu.vector_load %arg10[%swap3A_126, %swap3A_127] {strides = array<i32>} : memref<80x128xf32, #tpu.memory_space<vmem>>, vector<1x16xf32>,
      %swap3A_129 = vector.shape_cast %swap3A_128 : vector<1x16xf32> to vector<16xf32>
      %swap3A_130 = vector.shape_cast %broadcast_in_dim3A_24 : vector<16xf32> to vector<1x16xf32>
      tpu.vector_store %arg10[%swap3A_126, %swap3A_127], %swap3A_130 {strides = array<i32>} : memref<80x128xf32, #tpu.memory_space<vmem>>, vector<1x16xf32>,
      %swap3A_131 = arith.index_cast %scan3A_95 : i32 to index
      %swap3A_132 = arith.constant 112 : index
      %swap3A_133 = tpu.vector_load %arg10[%swap3A_131, %swap3A_132] {strides = array<i32>} : memref<80x128xf32, #tpu.memory_space<vmem>>, vector<1x16xf32>,
      %swap3A_134 = vector.shape_cast %swap3A_133 : vector<1x16xf32> to vector<16xf32>
      %swap3A_135 = vector.shape_cast %broadcast_in_dim3A_24 : vector<16xf32> to vector<1x16xf32>
      tpu.vector_store %arg10[%swap3A_131, %swap3A_132], %swap3A_135 {strides = array<i32>} : memref<80x128xf32, #tpu.memory_space<vmem>>, vector<1x16xf32>,
    }
    %scan3A_29 = arith.constant 80 : i32
    %lt3A_30 = arith.constant 15 : i32
    %lt3A_31 = arith.cmpi slt, %arg1, %lt3A_30 : i32
    %convert_element_type3A_32 = arith.extui %lt3A_31 : i1 to i32
    %cond3A_33 = arith.constant 0 : i32
    %cond3A_34 = arith.cmpi ne, %convert_element_type3A_32, %cond3A_33 : i32
    scf.if %cond3A_34 {
      %add3A_95 = arith.constant 0 : i32
      %add3A_96 = arith.addi %mul3A_2, %add3A_95 : i32
      "tpu.region"() ({
        %run_scoped3A_125 = tpu.sem_alloc : memref<!tpu.dma_semaphore, #tpu.memory_space<semaphore_mem>>
        %dma_start3A = arith.constant 0 : i32
        %dma_start3A_126 = tpu.memref_slice %arg15[%add3A_96, %dma_start3A] : memref<10000x128xf32, #tpu.memory_space<vmem_shared>> -> memref<80x128xf32, #tpu.memory_space<vmem_shared>>
        %dma_start3A_127 = arith.constant 0 : i32
        %dma_start3A_128 = tpu.memref_slice %arg15[%add3A_96, %dma_start3A_127] : memref<10000x128xf32, #tpu.memory_space<vmem_shared>> -> memref<80x128xf32, #tpu.memory_space<vmem_shared>>
        tpu.enqueue_dma source(%arg10 : memref<80x128xf32, #tpu.memory_space<vmem>>) target(%dma_start3A_128 : memref<80x128xf32, #tpu.memory_space<vmem_shared>>) target_semaphore(%run_scoped3A_125 : memref<!tpu.dma_semaphore, #tpu.memory_space<semaphore_mem>>)
        %dma_wait3A = arith.constant 0 : i32
        %dma_wait3A_129 = tpu.memref_slice %arg15[%add3A_96, %dma_wait3A] : memref<10000x128xf32, #tpu.memory_space<vmem_shared>> -> memref<80x128xf32, #tpu.memory_space<vmem_shared>>
        %dma_wait3A_130 = arith.constant 0 : i32
        %dma_wait3A_131 = tpu.memref_slice %arg15[%add3A_96, %dma_wait3A_130] : memref<10000x128xf32, #tpu.memory_space<vmem_shared>> -> memref<80x128xf32, #tpu.memory_space<vmem_shared>>
        tpu.wait_dma2 semaphore(%run_scoped3A_125 : memref<!tpu.dma_semaphore, #tpu.memory_space<semaphore_mem>>) src(%arg10 : memref<80x128xf32, #tpu.memory_space<vmem>>) dst(%dma_wait3A_131 : memref<80x128xf32, #tpu.memory_space<vmem_shared>>)
        tpu.yield
      }) : () -> ()
      %add3A_97 = arith.constant 80 : i32
      %add3A_98 = arith.addi %mul3A_2, %add3A_97 : i32
      "tpu.region"() ({
        %run_scoped3A_125 = tpu.sem_alloc : memref<!tpu.dma_semaphore, #tpu.memory_space<semaphore_mem>>
        %dma_start3A = arith.constant 0 : i32
        %dma_start3A_126 = tpu.memref_slice %arg15[%add3A_98, %dma_start3A] : memref<10000x128xf32, #tpu.memory_space<vmem_shared>> -> memref<80x128xf32, #tpu.memory_space<vmem_shared>>
        %dma_start3A_127 = arith.constant 0 : i32
        %dma_start3A_128 = tpu.memref_slice %arg15[%add3A_98, %dma_start3A_127] : memref<10000x128xf32, #tpu.memory_space<vmem_shared>> -> memref<80x128xf32, #tpu.memory_space<vmem_shared>>
        tpu.enqueue_dma source(%arg10 : memref<80x128xf32, #tpu.memory_space<vmem>>) target(%dma_start3A_128 : memref<80x128xf32, #tpu.memory_space<vmem_shared>>) target_semaphore(%run_scoped3A_125 : memref<!tpu.dma_semaphore, #tpu.memory_space<semaphore_mem>>)
        %dma_wait3A = arith.constant 0 : i32
        %dma_wait3A_129 = tpu.memref_slice %arg15[%add3A_98, %dma_wait3A] : memref<10000x128xf32, #tpu.memory_space<vmem_shared>> -> memref<80x128xf32, #tpu.memory_space<vmem_shared>>
        %dma_wait3A_130 = arith.constant 0 : i32
        %dma_wait3A_131 = tpu.memref_slice %arg15[%add3A_98, %dma_wait3A_130] : memref<10000x128xf32, #tpu.memory_space<vmem_shared>> -> memref<80x128xf32, #tpu.memory_space<vmem_shared>>
        tpu.wait_dma2 semaphore(%run_scoped3A_125 : memref<!tpu.dma_semaphore, #tpu.memory_space<semaphore_mem>>) src(%arg10 : memref<80x128xf32, #tpu.memory_space<vmem>>) dst(%dma_wait3A_131 : memref<80x128xf32, #tpu.memory_space<vmem_shared>>)
        tpu.yield
      }) : () -> ()
      %add3A_99 = arith.constant 160 : i32
      %add3A_100 = arith.addi %mul3A_2, %add3A_99 : i32
      "tpu.region"() ({
        %run_scoped3A_125 = tpu.sem_alloc : memref<!tpu.dma_semaphore, #tpu.memory_space<semaphore_mem>>
        %dma_start3A = arith.constant 0 : i32
        %dma_start3A_126 = tpu.memref_slice %arg15[%add3A_100, %dma_start3A] : memref<10000x128xf32, #tpu.memory_space<vmem_shared>> -> memref<80x128xf32, #tpu.memory_space<vmem_shared>>
        %dma_start3A_127 = arith.constant 0 : i32
        %dma_start3A_128 = tpu.memref_slice %arg15[%add3A_100, %dma_start3A_127] : memref<10000x128xf32, #tpu.memory_space<vmem_shared>> -> memref<80x128xf32, #tpu.memory_space<vmem_shared>>
        tpu.enqueue_dma source(%arg10 : memref<80x128xf32, #tpu.memory_space<vmem>>) target(%dma_start3A_128 : memref<80x128xf32, #tpu.memory_space<vmem_shared>>) target_semaphore(%run_scoped3A_125 : memref<!tpu.dma_semaphore, #tpu.memory_space<semaphore_mem>>)
        %dma_wait3A = arith.constant 0 : i32
        %dma_wait3A_129 = tpu.memref_slice %arg15[%add3A_100, %dma_wait3A] : memref<10000x128xf32, #tpu.memory_space<vmem_shared>> -> memref<80x128xf32, #tpu.memory_space<vmem_shared>>
        %dma_wait3A_130 = arith.constant 0 : i32
        %dma_wait3A_131 = tpu.memref_slice %arg15[%add3A_100, %dma_wait3A_130] : memref<10000x128xf32, #tpu.memory_space<vmem_shared>> -> memref<80x128xf32, #tpu.memory_space<vmem_shared>>
        tpu.wait_dma2 semaphore(%run_scoped3A_125 : memref<!tpu.dma_semaphore, #tpu.memory_space<semaphore_mem>>) src(%arg10 : memref<80x128xf32, #tpu.memory_space<vmem>>) dst(%dma_wait3A_131 : memref<80x128xf32, #tpu.memory_space<vmem_shared>>)
        tpu.yield
      }) : () -> ()
      %add3A_101 = arith.constant 240 : i32
      %add3A_102 = arith.addi %mul3A_2, %add3A_101 : i32
      "tpu.region"() ({
        %run_scoped3A_125 = tpu.sem_alloc : memref<!tpu.dma_semaphore, #tpu.memory_space<semaphore_mem>>
        %dma_start3A = arith.constant 0 : i32
        %dma_start3A_126 = tpu.memref_slice %arg15[%add3A_102, %dma_start3A] : memref<10000x128xf32, #tpu.memory_space<vmem_shared>> -> memref<80x128xf32, #tpu.memory_space<vmem_shared>>
        %dma_start3A_127 = arith.constant 0 : i32
        %dma_start3A_128 = tpu.memref_slice %arg15[%add3A_102, %dma_start3A_127] : memref<10000x128xf32, #tpu.memory_space<vmem_shared>> -> memref<80x128xf32, #tpu.memory_space<vmem_shared>>
        tpu.enqueue_dma source(%arg10 : memref<80x128xf32, #tpu.memory_space<vmem>>) target(%dma_start3A_128 : memref<80x128xf32, #tpu.memory_space<vmem_shared>>) target_semaphore(%run_scoped3A_125 : memref<!tpu.dma_semaphore, #tpu.memory_space<semaphore_mem>>)
        %dma_wait3A = arith.constant 0 : i32
        %dma_wait3A_129 = tpu.memref_slice %arg15[%add3A_102, %dma_wait3A] : memref<10000x128xf32, #tpu.memory_space<vmem_shared>> -> memref<80x128xf32, #tpu.memory_space<vmem_shared>>
        %dma_wait3A_130 = arith.constant 0 : i32
        %dma_wait3A_131 = tpu.memref_slice %arg15[%add3A_102, %dma_wait3A_130] : memref<10000x128xf32, #tpu.memory_space<vmem_shared>> -> memref<80x128xf32, #tpu.memory_space<vmem_shared>>
        tpu.wait_dma2 semaphore(%run_scoped3A_125 : memref<!tpu.dma_semaphore, #tpu.memory_space<semaphore_mem>>) src(%arg10 : memref<80x128xf32, #tpu.memory_space<vmem>>) dst(%dma_wait3A_131 : memref<80x128xf32, #tpu.memory_space<vmem_shared>>)
        tpu.yield
      }) : () -> ()
      %add3A_103 = arith.constant 320 : i32
      %add3A_104 = arith.addi %mul3A_2, %add3A_103 : i32
      "tpu.region"() ({
        %run_scoped3A_125 = tpu.sem_alloc : memref<!tpu.dma_semaphore, #tpu.memory_space<semaphore_mem>>
        %dma_start3A = arith.constant 0 : i32
        %dma_start3A_126 = tpu.memref_slice %arg15[%add3A_104, %dma_start3A] : memref<10000x128xf32, #tpu.memory_space<vmem_shared>> -> memref<80x128xf32, #tpu.memory_space<vmem_shared>>
        %dma_start3A_127 = arith.constant 0 : i32
        %dma_start3A_128 = tpu.memref_slice %arg15[%add3A_104, %dma_start3A_127] : memref<10000x128xf32, #tpu.memory_space<vmem_shared>> -> memref<80x128xf32, #tpu.memory_space<vmem_shared>>
        tpu.enqueue_dma source(%arg10 : memref<80x128xf32, #tpu.memory_space<vmem>>) target(%dma_start3A_128 : memref<80x128xf32, #tpu.memory_space<vmem_shared>>) target_semaphore(%run_scoped3A_125 : memref<!tpu.dma_semaphore, #tpu.memory_space<semaphore_mem>>)
        %dma_wait3A = arith.constant 0 : i32
        %dma_wait3A_129 = tpu.memref_slice %arg15[%add3A_104, %dma_wait3A] : memref<10000x128xf32, #tpu.memory_space<vmem_shared>> -> memref<80x128xf32, #tpu.memory_space<vmem_shared>>
        %dma_wait3A_130 = arith.constant 0 : i32
        %dma_wait3A_131 = tpu.memref_slice %arg15[%add3A_104, %dma_wait3A_130] : memref<10000x128xf32, #tpu.memory_space<vmem_shared>> -> memref<80x128xf32, #tpu.memory_space<vmem_shared>>
        tpu.wait_dma2 semaphore(%run_scoped3A_125 : memref<!tpu.dma_semaphore, #tpu.memory_space<semaphore_mem>>) src(%arg10 : memref<80x128xf32, #tpu.memory_space<vmem>>) dst(%dma_wait3A_131 : memref<80x128xf32, #tpu.memory_space<vmem_shared>>)
        tpu.yield
      }) : () -> ()
      %add3A_105 = arith.constant 400 : i32
      %add3A_106 = arith.addi %mul3A_2, %add3A_105 : i32
      "tpu.region"() ({
        %run_scoped3A_125 = tpu.sem_alloc : memref<!tpu.dma_semaphore, #tpu.memory_space<semaphore_mem>>
        %dma_start3A = arith.constant 0 : i32
        %dma_start3A_126 = tpu.memref_slice %arg15[%add3A_106, %dma_start3A] : memref<10000x128xf32, #tpu.memory_space<vmem_shared>> -> memref<80x128xf32, #tpu.memory_space<vmem_shared>>
        %dma_start3A_127 = arith.constant 0 : i32
        %dma_start3A_128 = tpu.memref_slice %arg15[%add3A_106, %dma_start3A_127] : memref<10000x128xf32, #tpu.memory_space<vmem_shared>> -> memref<80x128xf32, #tpu.memory_space<vmem_shared>>
        tpu.enqueue_dma source(%arg10 : memref<80x128xf32, #tpu.memory_space<vmem>>) target(%dma_start3A_128 : memref<80x128xf32, #tpu.memory_space<vmem_shared>>) target_semaphore(%run_scoped3A_125 : memref<!tpu.dma_semaphore, #tpu.memory_space<semaphore_mem>>)
        %dma_wait3A = arith.constant 0 : i32
        %dma_wait3A_129 = tpu.memref_slice %arg15[%add3A_106, %dma_wait3A] : memref<10000x128xf32, #tpu.memory_space<vmem_shared>> -> memref<80x128xf32, #tpu.memory_space<vmem_shared>>
        %dma_wait3A_130 = arith.constant 0 : i32
        %dma_wait3A_131 = tpu.memref_slice %arg15[%add3A_106, %dma_wait3A_130] : memref<10000x128xf32, #tpu.memory_space<vmem_shared>> -> memref<80x128xf32, #tpu.memory_space<vmem_shared>>
        tpu.wait_dma2 semaphore(%run_scoped3A_125 : memref<!tpu.dma_semaphore, #tpu.memory_space<semaphore_mem>>) src(%arg10 : memref<80x128xf32, #tpu.memory_space<vmem>>) dst(%dma_wait3A_131 : memref<80x128xf32, #tpu.memory_space<vmem_shared>>)
        tpu.yield
      }) : () -> ()
      %add3A_107 = arith.constant 480 : i32
      %add3A_108 = arith.addi %mul3A_2, %add3A_107 : i32
      "tpu.region"() ({
        %run_scoped3A_125 = tpu.sem_alloc : memref<!tpu.dma_semaphore, #tpu.memory_space<semaphore_mem>>
        %dma_start3A = arith.constant 0 : i32
        %dma_start3A_126 = tpu.memref_slice %arg15[%add3A_108, %dma_start3A] : memref<10000x128xf32, #tpu.memory_space<vmem_shared>> -> memref<80x128xf32, #tpu.memory_space<vmem_shared>>
        %dma_start3A_127 = arith.constant 0 : i32
        %dma_start3A_128 = tpu.memref_slice %arg15[%add3A_108, %dma_start3A_127] : memref<10000x128xf32, #tpu.memory_space<vmem_shared>> -> memref<80x128xf32, #tpu.memory_space<vmem_shared>>
        tpu.enqueue_dma source(%arg10 : memref<80x128xf32, #tpu.memory_space<vmem>>) target(%dma_start3A_128 : memref<80x128xf32, #tpu.memory_space<vmem_shared>>) target_semaphore(%run_scoped3A_125 : memref<!tpu.dma_semaphore, #tpu.memory_space<semaphore_mem>>)
        %dma_wait3A = arith.constant 0 : i32
        %dma_wait3A_129 = tpu.memref_slice %arg15[%add3A_108, %dma_wait3A] : memref<10000x128xf32, #tpu.memory_space<vmem_shared>> -> memref<80x128xf32, #tpu.memory_space<vmem_shared>>
        %dma_wait3A_130 = arith.constant 0 : i32
        %dma_wait3A_131 = tpu.memref_slice %arg15[%add3A_108, %dma_wait3A_130] : memref<10000x128xf32, #tpu.memory_space<vmem_shared>> -> memref<80x128xf32, #tpu.memory_space<vmem_shared>>
        tpu.wait_dma2 semaphore(%run_scoped3A_125 : memref<!tpu.dma_semaphore, #tpu.memory_space<semaphore_mem>>) src(%arg10 : memref<80x128xf32, #tpu.memory_space<vmem>>) dst(%dma_wait3A_131 : memref<80x128xf32, #tpu.memory_space<vmem_shared>>)
        tpu.yield
      }) : () -> ()
      %add3A_109 = arith.constant 560 : i32
      %add3A_110 = arith.addi %mul3A_2, %add3A_109 : i32
      "tpu.region"() ({
        %run_scoped3A_125 = tpu.sem_alloc : memref<!tpu.dma_semaphore, #tpu.memory_space<semaphore_mem>>
        %dma_start3A = arith.constant 0 : i32
        %dma_start3A_126 = arith.constant 0 : i32
        %dma_start3A_127 = tpu.memref_slice %arg10[%dma_start3A, %dma_start3A_126] : memref<80x128xf32, #tpu.memory_space<vmem>> -> memref<72x128xf32, #tpu.memory_space<vmem>>
        %dma_start3A_128 = arith.constant 0 : i32
        %dma_start3A_129 = tpu.memref_slice %arg15[%add3A_110, %dma_start3A_128] : memref<10000x128xf32, #tpu.memory_space<vmem_shared>> -> memref<72x128xf32, #tpu.memory_space<vmem_shared>>
        %dma_start3A_130 = arith.constant 0 : i32
        %dma_start3A_131 = tpu.memref_slice %arg15[%add3A_110, %dma_start3A_130] : memref<10000x128xf32, #tpu.memory_space<vmem_shared>> -> memref<72x128xf32, #tpu.memory_space<vmem_shared>>
        %dma_start3A_132 = arith.constant 0 : i32
        %dma_start3A_133 = arith.constant 0 : i32
        %dma_start3A_134 = tpu.memref_slice %arg10[%dma_start3A_132, %dma_start3A_133] : memref<80x128xf32, #tpu.memory_space<vmem>> -> memref<72x128xf32, #tpu.memory_space<vmem>>
        tpu.enqueue_dma source(%dma_start3A_134 : memref<72x128xf32, #tpu.memory_space<vmem>>) target(%dma_start3A_131 : memref<72x128xf32, #tpu.memory_space<vmem_shared>>) target_semaphore(%run_scoped3A_125 : memref<!tpu.dma_semaphore, #tpu.memory_space<semaphore_mem>>)
        %dma_wait3A = arith.constant 0 : i32
        %dma_wait3A_135 = arith.constant 0 : i32
        %dma_wait3A_136 = tpu.memref_slice %arg10[%dma_wait3A, %dma_wait3A_135] : memref<80x128xf32, #tpu.memory_space<vmem>> -> memref<72x128xf32, #tpu.memory_space<vmem>>
        %dma_wait3A_137 = arith.constant 0 : i32
        %dma_wait3A_138 = tpu.memref_slice %arg15[%add3A_110, %dma_wait3A_137] : memref<10000x128xf32, #tpu.memory_space<vmem_shared>> -> memref<72x128xf32, #tpu.memory_space<vmem_shared>>
        %dma_wait3A_139 = arith.constant 0 : i32
        %dma_wait3A_140 = tpu.memref_slice %arg15[%add3A_110, %dma_wait3A_139] : memref<10000x128xf32, #tpu.memory_space<vmem_shared>> -> memref<72x128xf32, #tpu.memory_space<vmem_shared>>
        %dma_wait3A_141 = arith.constant 0 : i32
        %dma_wait3A_142 = arith.constant 0 : i32
        %dma_wait3A_143 = tpu.memref_slice %arg10[%dma_wait3A_141, %dma_wait3A_142] : memref<80x128xf32, #tpu.memory_space<vmem>> -> memref<72x128xf32, #tpu.memory_space<vmem>>
        tpu.wait_dma2 semaphore(%run_scoped3A_125 : memref<!tpu.dma_semaphore, #tpu.memory_space<semaphore_mem>>) src(%dma_wait3A_143 : memref<72x128xf32, #tpu.memory_space<vmem>>) dst(%dma_wait3A_140 : memref<72x128xf32, #tpu.memory_space<vmem_shared>>)
        tpu.yield
      }) : () -> ()
      %add3A_111 = arith.constant 0 : i32
      %add3A_112 = arith.addi %mul3A_2, %add3A_111 : i32
      %run_scoped3A = arith.constant 0 : i32
      "tpu.region"() ({
        %run_scoped3A_125 = tpu.sem_alloc : memref<!tpu.dma_semaphore, #tpu.memory_space<semaphore_mem>>
        %dma_start3A = arith.constant 0 : i32
        %dma_start3A_126 = tpu.memref_slice %arg10[%run_scoped3A, %dma_start3A] : memref<80x128xf32, #tpu.memory_space<vmem>> -> memref<1x128xf32, #tpu.memory_space<vmem>>
        %dma_start3A_127 = tpu.memref_squeeze %dma_start3A_126 : memref<1x128xf32, #tpu.memory_space<vmem>> -> memref<128xf32, #tpu.memory_space<vmem>>
        %dma_start3A_128 = tpu.memref_slice %arg16[%add3A_112] : memref<10000xf32, #tpu.memory_space<vmem_shared>> -> memref<128xf32, #tpu.memory_space<vmem_shared>>
        %dma_start3A_129 = tpu.memref_slice %arg16[%add3A_112] : memref<10000xf32, #tpu.memory_space<vmem_shared>> -> memref<128xf32, #tpu.memory_space<vmem_shared>>
        %dma_start3A_130 = arith.constant 0 : i32
        %dma_start3A_131 = tpu.memref_slice %arg10[%run_scoped3A, %dma_start3A_130] : memref<80x128xf32, #tpu.memory_space<vmem>> -> memref<1x128xf32, #tpu.memory_space<vmem>>
        %dma_start3A_132 = tpu.memref_squeeze %dma_start3A_131 : memref<1x128xf32, #tpu.memory_space<vmem>> -> memref<128xf32, #tpu.memory_space<vmem>>
        tpu.enqueue_dma source(%dma_start3A_132 : memref<128xf32, #tpu.memory_space<vmem>>) target(%dma_start3A_129 : memref<128xf32, #tpu.memory_space<vmem_shared>>) target_semaphore(%run_scoped3A_125 : memref<!tpu.dma_semaphore, #tpu.memory_space<semaphore_mem>>)
        %dma_wait3A = arith.constant 0 : i32
        %dma_wait3A_133 = tpu.memref_slice %arg10[%run_scoped3A, %dma_wait3A] : memref<80x128xf32, #tpu.memory_space<vmem>> -> memref<1x128xf32, #tpu.memory_space<vmem>>
        %dma_wait3A_134 = tpu.memref_squeeze %dma_wait3A_133 : memref<1x128xf32, #tpu.memory_space<vmem>> -> memref<128xf32, #tpu.memory_space<vmem>>
        %dma_wait3A_135 = tpu.memref_slice %arg16[%add3A_112] : memref<10000xf32, #tpu.memory_space<vmem_shared>> -> memref<128xf32, #tpu.memory_space<vmem_shared>>
        %dma_wait3A_136 = tpu.memref_slice %arg16[%add3A_112] : memref<10000xf32, #tpu.memory_space<vmem_shared>> -> memref<128xf32, #tpu.memory_space<vmem_shared>>
        %dma_wait3A_137 = arith.constant 0 : i32
        %dma_wait3A_138 = tpu.memref_slice %arg10[%run_scoped3A, %dma_wait3A_137] : memref<80x128xf32, #tpu.memory_space<vmem>> -> memref<1x128xf32, #tpu.memory_space<vmem>>
        %dma_wait3A_139 = tpu.memref_squeeze %dma_wait3A_138 : memref<1x128xf32, #tpu.memory_space<vmem>> -> memref<128xf32, #tpu.memory_space<vmem>>
        tpu.wait_dma2 semaphore(%run_scoped3A_125 : memref<!tpu.dma_semaphore, #tpu.memory_space<semaphore_mem>>) src(%dma_wait3A_139 : memref<128xf32, #tpu.memory_space<vmem>>) dst(%dma_wait3A_136 : memref<128xf32, #tpu.memory_space<vmem_shared>>)
        tpu.yield
      }) : () -> ()
      %add3A_113 = arith.constant 128 : i32
      %add3A_114 = arith.addi %mul3A_2, %add3A_113 : i32
      %run_scoped3A_115 = arith.constant 1 : i32
      "tpu.region"() ({
        %run_scoped3A_125 = tpu.sem_alloc : memref<!tpu.dma_semaphore, #tpu.memory_space<semaphore_mem>>
        %dma_start3A = arith.constant 0 : i32
        %dma_start3A_126 = tpu.memref_slice %arg10[%run_scoped3A_115, %dma_start3A] : memref<80x128xf32, #tpu.memory_space<vmem>> -> memref<1x128xf32, #tpu.memory_space<vmem>>
        %dma_start3A_127 = tpu.memref_squeeze %dma_start3A_126 : memref<1x128xf32, #tpu.memory_space<vmem>> -> memref<128xf32, #tpu.memory_space<vmem>>
        %dma_start3A_128 = tpu.memref_slice %arg16[%add3A_114] : memref<10000xf32, #tpu.memory_space<vmem_shared>> -> memref<128xf32, #tpu.memory_space<vmem_shared>>
        %dma_start3A_129 = tpu.memref_slice %arg16[%add3A_114] : memref<10000xf32, #tpu.memory_space<vmem_shared>> -> memref<128xf32, #tpu.memory_space<vmem_shared>>
        %dma_start3A_130 = arith.constant 0 : i32
        %dma_start3A_131 = tpu.memref_slice %arg10[%run_scoped3A_115, %dma_start3A_130] : memref<80x128xf32, #tpu.memory_space<vmem>> -> memref<1x128xf32, #tpu.memory_space<vmem>>
        %dma_start3A_132 = tpu.memref_squeeze %dma_start3A_131 : memref<1x128xf32, #tpu.memory_space<vmem>> -> memref<128xf32, #tpu.memory_space<vmem>>
        tpu.enqueue_dma source(%dma_start3A_132 : memref<128xf32, #tpu.memory_space<vmem>>) target(%dma_start3A_129 : memref<128xf32, #tpu.memory_space<vmem_shared>>) target_semaphore(%run_scoped3A_125 : memref<!tpu.dma_semaphore, #tpu.memory_space<semaphore_mem>>)
        %dma_wait3A = arith.constant 0 : i32
        %dma_wait3A_133 = tpu.memref_slice %arg10[%run_scoped3A_115, %dma_wait3A] : memref<80x128xf32, #tpu.memory_space<vmem>> -> memref<1x128xf32, #tpu.memory_space<vmem>>
        %dma_wait3A_134 = tpu.memref_squeeze %dma_wait3A_133 : memref<1x128xf32, #tpu.memory_space<vmem>> -> memref<128xf32, #tpu.memory_space<vmem>>
        %dma_wait3A_135 = tpu.memref_slice %arg16[%add3A_114] : memref<10000xf32, #tpu.memory_space<vmem_shared>> -> memref<128xf32, #tpu.memory_space<vmem_shared>>
        %dma_wait3A_136 = tpu.memref_slice %arg16[%add3A_114] : memref<10000xf32, #tpu.memory_space<vmem_shared>> -> memref<128xf32, #tpu.memory_space<vmem_shared>>
        %dma_wait3A_137 = arith.constant 0 : i32
        %dma_wait3A_138 = tpu.memref_slice %arg10[%run_scoped3A_115, %dma_wait3A_137] : memref<80x128xf32, #tpu.memory_space<vmem>> -> memref<1x128xf32, #tpu.memory_space<vmem>>
        %dma_wait3A_139 = tpu.memref_squeeze %dma_wait3A_138 : memref<1x128xf32, #tpu.memory_space<vmem>> -> memref<128xf32, #tpu.memory_space<vmem>>
        tpu.wait_dma2 semaphore(%run_scoped3A_125 : memref<!tpu.dma_semaphore, #tpu.memory_space<semaphore_mem>>) src(%dma_wait3A_139 : memref<128xf32, #tpu.memory_space<vmem>>) dst(%dma_wait3A_136 : memref<128xf32, #tpu.memory_space<vmem_shared>>)
        tpu.yield
      }) : () -> ()
      %add3A_116 = arith.constant 256 : i32
      %add3A_117 = arith.addi %mul3A_2, %add3A_116 : i32
      %run_scoped3A_118 = arith.constant 2 : i32
      "tpu.region"() ({
        %run_scoped3A_125 = tpu.sem_alloc : memref<!tpu.dma_semaphore, #tpu.memory_space<semaphore_mem>>
        %dma_start3A = arith.constant 0 : i32
        %dma_start3A_126 = tpu.memref_slice %arg10[%run_scoped3A_118, %dma_start3A] : memref<80x128xf32, #tpu.memory_space<vmem>> -> memref<1x128xf32, #tpu.memory_space<vmem>>
        %dma_start3A_127 = tpu.memref_squeeze %dma_start3A_126 : memref<1x128xf32, #tpu.memory_space<vmem>> -> memref<128xf32, #tpu.memory_space<vmem>>
        %dma_start3A_128 = tpu.memref_slice %arg16[%add3A_117] : memref<10000xf32, #tpu.memory_space<vmem_shared>> -> memref<128xf32, #tpu.memory_space<vmem_shared>>
        %dma_start3A_129 = tpu.memref_slice %arg16[%add3A_117] : memref<10000xf32, #tpu.memory_space<vmem_shared>> -> memref<128xf32, #tpu.memory_space<vmem_shared>>
        %dma_start3A_130 = arith.constant 0 : i32
        %dma_start3A_131 = tpu.memref_slice %arg10[%run_scoped3A_118, %dma_start3A_130] : memref<80x128xf32, #tpu.memory_space<vmem>> -> memref<1x128xf32, #tpu.memory_space<vmem>>
        %dma_start3A_132 = tpu.memref_squeeze %dma_start3A_131 : memref<1x128xf32, #tpu.memory_space<vmem>> -> memref<128xf32, #tpu.memory_space<vmem>>
        tpu.enqueue_dma source(%dma_start3A_132 : memref<128xf32, #tpu.memory_space<vmem>>) target(%dma_start3A_129 : memref<128xf32, #tpu.memory_space<vmem_shared>>) target_semaphore(%run_scoped3A_125 : memref<!tpu.dma_semaphore, #tpu.memory_space<semaphore_mem>>)
        %dma_wait3A = arith.constant 0 : i32
        %dma_wait3A_133 = tpu.memref_slice %arg10[%run_scoped3A_118, %dma_wait3A] : memref<80x128xf32, #tpu.memory_space<vmem>> -> memref<1x128xf32, #tpu.memory_space<vmem>>
        %dma_wait3A_134 = tpu.memref_squeeze %dma_wait3A_133 : memref<1x128xf32, #tpu.memory_space<vmem>> -> memref<128xf32, #tpu.memory_space<vmem>>
        %dma_wait3A_135 = tpu.memref_slice %arg16[%add3A_117] : memref<10000xf32, #tpu.memory_space<vmem_shared>> -> memref<128xf32, #tpu.memory_space<vmem_shared>>
        %dma_wait3A_136 = tpu.memref_slice %arg16[%add3A_117] : memref<10000xf32, #tpu.memory_space<vmem_shared>> -> memref<128xf32, #tpu.memory_space<vmem_shared>>
        %dma_wait3A_137 = arith.constant 0 : i32
        %dma_wait3A_138 = tpu.memref_slice %arg10[%run_scoped3A_118, %dma_wait3A_137] : memref<80x128xf32, #tpu.memory_space<vmem>> -> memref<1x128xf32, #tpu.memory_space<vmem>>
        %dma_wait3A_139 = tpu.memref_squeeze %dma_wait3A_138 : memref<1x128xf32, #tpu.memory_space<vmem>> -> memref<128xf32, #tpu.memory_space<vmem>>
        tpu.wait_dma2 semaphore(%run_scoped3A_125 : memref<!tpu.dma_semaphore, #tpu.memory_space<semaphore_mem>>) src(%dma_wait3A_139 : memref<128xf32, #tpu.memory_space<vmem>>) dst(%dma_wait3A_136 : memref<128xf32, #tpu.memory_space<vmem_shared>>)
        tpu.yield
      }) : () -> ()
      %add3A_119 = arith.constant 384 : i32
      %add3A_120 = arith.addi %mul3A_2, %add3A_119 : i32
      %run_scoped3A_121 = arith.constant 3 : i32
      "tpu.region"() ({
        %run_scoped3A_125 = tpu.sem_alloc : memref<!tpu.dma_semaphore, #tpu.memory_space<semaphore_mem>>
        %dma_start3A = arith.constant 0 : i32
        %dma_start3A_126 = tpu.memref_slice %arg10[%run_scoped3A_121, %dma_start3A] : memref<80x128xf32, #tpu.memory_space<vmem>> -> memref<1x128xf32, #tpu.memory_space<vmem>>
        %dma_start3A_127 = tpu.memref_squeeze %dma_start3A_126 : memref<1x128xf32, #tpu.memory_space<vmem>> -> memref<128xf32, #tpu.memory_space<vmem>>
        %dma_start3A_128 = tpu.memref_slice %arg16[%add3A_120] : memref<10000xf32, #tpu.memory_space<vmem_shared>> -> memref<128xf32, #tpu.memory_space<vmem_shared>>
        %dma_start3A_129 = tpu.memref_slice %arg16[%add3A_120] : memref<10000xf32, #tpu.memory_space<vmem_shared>> -> memref<128xf32, #tpu.memory_space<vmem_shared>>
        %dma_start3A_130 = arith.constant 0 : i32
        %dma_start3A_131 = tpu.memref_slice %arg10[%run_scoped3A_121, %dma_start3A_130] : memref<80x128xf32, #tpu.memory_space<vmem>> -> memref<1x128xf32, #tpu.memory_space<vmem>>
        %dma_start3A_132 = tpu.memref_squeeze %dma_start3A_131 : memref<1x128xf32, #tpu.memory_space<vmem>> -> memref<128xf32, #tpu.memory_space<vmem>>
        tpu.enqueue_dma source(%dma_start3A_132 : memref<128xf32, #tpu.memory_space<vmem>>) target(%dma_start3A_129 : memref<128xf32, #tpu.memory_space<vmem_shared>>) target_semaphore(%run_scoped3A_125 : memref<!tpu.dma_semaphore, #tpu.memory_space<semaphore_mem>>)
        %dma_wait3A = arith.constant 0 : i32
        %dma_wait3A_133 = tpu.memref_slice %arg10[%run_scoped3A_121, %dma_wait3A] : memref<80x128xf32, #tpu.memory_space<vmem>> -> memref<1x128xf32, #tpu.memory_space<vmem>>
        %dma_wait3A_134 = tpu.memref_squeeze %dma_wait3A_133 : memref<1x128xf32, #tpu.memory_space<vmem>> -> memref<128xf32, #tpu.memory_space<vmem>>
        %dma_wait3A_135 = tpu.memref_slice %arg16[%add3A_120] : memref<10000xf32, #tpu.memory_space<vmem_shared>> -> memref<128xf32, #tpu.memory_space<vmem_shared>>
        %dma_wait3A_136 = tpu.memref_slice %arg16[%add3A_120] : memref<10000xf32, #tpu.memory_space<vmem_shared>> -> memref<128xf32, #tpu.memory_space<vmem_shared>>
        %dma_wait3A_137 = arith.constant 0 : i32
        %dma_wait3A_138 = tpu.memref_slice %arg10[%run_scoped3A_121, %dma_wait3A_137] : memref<80x128xf32, #tpu.memory_space<vmem>> -> memref<1x128xf32, #tpu.memory_space<vmem>>
        %dma_wait3A_139 = tpu.memref_squeeze %dma_wait3A_138 : memref<1x128xf32, #tpu.memory_space<vmem>> -> memref<128xf32, #tpu.memory_space<vmem>>
        tpu.wait_dma2 semaphore(%run_scoped3A_125 : memref<!tpu.dma_semaphore, #tpu.memory_space<semaphore_mem>>) src(%dma_wait3A_139 : memref<128xf32, #tpu.memory_space<vmem>>) dst(%dma_wait3A_136 : memref<128xf32, #tpu.memory_space<vmem_shared>>)
        tpu.yield
      }) : () -> ()
      %add3A_122 = arith.constant 512 : i32
      %add3A_123 = arith.addi %mul3A_2, %add3A_122 : i32
      %run_scoped3A_124 = arith.constant 4 : i32
      "tpu.region"() ({
        %run_scoped3A_125 = tpu.sem_alloc : memref<!tpu.dma_semaphore, #tpu.memory_space<semaphore_mem>>
        %dma_start3A = arith.constant 0 : i32
        %dma_start3A_126 = tpu.memref_slice %arg10[%run_scoped3A_124, %dma_start3A] : memref<80x128xf32, #tpu.memory_space<vmem>> -> memref<1x120xf32, #tpu.memory_space<vmem>>
        %dma_start3A_127 = tpu.memref_squeeze %dma_start3A_126 : memref<1x120xf32, #tpu.memory_space<vmem>> -> memref<120xf32, #tpu.memory_space<vmem>>
        %dma_start3A_128 = tpu.memref_slice %arg16[%add3A_123] : memref<10000xf32, #tpu.memory_space<vmem_shared>> -> memref<120xf32, #tpu.memory_space<vmem_shared>>
        %dma_start3A_129 = tpu.memref_slice %arg16[%add3A_123] : memref<10000xf32, #tpu.memory_space<vmem_shared>> -> memref<120xf32, #tpu.memory_space<vmem_shared>>
        %dma_start3A_130 = arith.constant 0 : i32
        %dma_start3A_131 = tpu.memref_slice %arg10[%run_scoped3A_124, %dma_start3A_130] : memref<80x128xf32, #tpu.memory_space<vmem>> -> memref<1x120xf32, #tpu.memory_space<vmem>>
        %dma_start3A_132 = tpu.memref_squeeze %dma_start3A_131 : memref<1x120xf32, #tpu.memory_space<vmem>> -> memref<120xf32, #tpu.memory_space<vmem>>
        tpu.enqueue_dma source(%dma_start3A_132 : memref<120xf32, #tpu.memory_space<vmem>>) target(%dma_start3A_129 : memref<120xf32, #tpu.memory_space<vmem_shared>>) target_semaphore(%run_scoped3A_125 : memref<!tpu.dma_semaphore, #tpu.memory_space<semaphore_mem>>)
        %dma_wait3A = arith.constant 0 : i32
        %dma_wait3A_133 = tpu.memref_slice %arg10[%run_scoped3A_124, %dma_wait3A] : memref<80x128xf32, #tpu.memory_space<vmem>> -> memref<1x120xf32, #tpu.memory_space<vmem>>
        %dma_wait3A_134 = tpu.memref_squeeze %dma_wait3A_133 : memref<1x120xf32, #tpu.memory_space<vmem>> -> memref<120xf32, #tpu.memory_space<vmem>>
        %dma_wait3A_135 = tpu.memref_slice %arg16[%add3A_123] : memref<10000xf32, #tpu.memory_space<vmem_shared>> -> memref<120xf32, #tpu.memory_space<vmem_shared>>
        %dma_wait3A_136 = tpu.memref_slice %arg16[%add3A_123] : memref<10000xf32, #tpu.memory_space<vmem_shared>> -> memref<120xf32, #tpu.memory_space<vmem_shared>>
        %dma_wait3A_137 = arith.constant 0 : i32
        %dma_wait3A_138 = tpu.memref_slice %arg10[%run_scoped3A_124, %dma_wait3A_137] : memref<80x128xf32, #tpu.memory_space<vmem>> -> memref<1x120xf32, #tpu.memory_space<vmem>>
        %dma_wait3A_139 = tpu.memref_squeeze %dma_wait3A_138 : memref<1x120xf32, #tpu.memory_space<vmem>> -> memref<120xf32, #tpu.memory_space<vmem>>
        tpu.wait_dma2 semaphore(%run_scoped3A_125 : memref<!tpu.dma_semaphore, #tpu.memory_space<semaphore_mem>>) src(%dma_wait3A_139 : memref<120xf32, #tpu.memory_space<vmem>>) dst(%dma_wait3A_136 : memref<120xf32, #tpu.memory_space<vmem_shared>>)
        tpu.yield
      }) : () -> ()
    } else {
    }
    %eq3A = arith.constant 15 : i32
    %eq3A_35 = arith.cmpi eq, %arg1, %eq3A : i32
    %convert_element_type3A_36 = arith.extui %eq3A_35 : i1 to i32
    %cond3A_37 = arith.constant 0 : i32
    %cond3A_38 = arith.cmpi ne, %convert_element_type3A_36, %cond3A_37 : i32
    scf.if %cond3A_38 {
      %add3A_95 = arith.constant 0 : i32
      %add3A_96 = arith.addi %mul3A_2, %add3A_95 : i32
      "tpu.region"() ({
        %run_scoped3A_123 = tpu.sem_alloc : memref<!tpu.dma_semaphore, #tpu.memory_space<semaphore_mem>>
        %dma_start3A = arith.constant 0 : i32
        %dma_start3A_124 = tpu.memref_slice %arg15[%add3A_96, %dma_start3A] : memref<10000x128xf32, #tpu.memory_space<vmem_shared>> -> memref<80x128xf32, #tpu.memory_space<vmem_shared>>
        %dma_start3A_125 = arith.constant 0 : i32
        %dma_start3A_126 = tpu.memref_slice %arg15[%add3A_96, %dma_start3A_125] : memref<10000x128xf32, #tpu.memory_space<vmem_shared>> -> memref<80x128xf32, #tpu.memory_space<vmem_shared>>
        tpu.enqueue_dma source(%arg10 : memref<80x128xf32, #tpu.memory_space<vmem>>) target(%dma_start3A_126 : memref<80x128xf32, #tpu.memory_space<vmem_shared>>) target_semaphore(%run_scoped3A_123 : memref<!tpu.dma_semaphore, #tpu.memory_space<semaphore_mem>>)
        %dma_wait3A = arith.constant 0 : i32
        %dma_wait3A_127 = tpu.memref_slice %arg15[%add3A_96, %dma_wait3A] : memref<10000x128xf32, #tpu.memory_space<vmem_shared>> -> memref<80x128xf32, #tpu.memory_space<vmem_shared>>
        %dma_wait3A_128 = arith.constant 0 : i32
        %dma_wait3A_129 = tpu.memref_slice %arg15[%add3A_96, %dma_wait3A_128] : memref<10000x128xf32, #tpu.memory_space<vmem_shared>> -> memref<80x128xf32, #tpu.memory_space<vmem_shared>>
        tpu.wait_dma2 semaphore(%run_scoped3A_123 : memref<!tpu.dma_semaphore, #tpu.memory_space<semaphore_mem>>) src(%arg10 : memref<80x128xf32, #tpu.memory_space<vmem>>) dst(%dma_wait3A_129 : memref<80x128xf32, #tpu.memory_space<vmem_shared>>)
        tpu.yield
      }) : () -> ()
      %add3A_97 = arith.constant 80 : i32
      %add3A_98 = arith.addi %mul3A_2, %add3A_97 : i32
      "tpu.region"() ({
        %run_scoped3A_123 = tpu.sem_alloc : memref<!tpu.dma_semaphore, #tpu.memory_space<semaphore_mem>>
        %dma_start3A = arith.constant 0 : i32
        %dma_start3A_124 = tpu.memref_slice %arg15[%add3A_98, %dma_start3A] : memref<10000x128xf32, #tpu.memory_space<vmem_shared>> -> memref<80x128xf32, #tpu.memory_space<vmem_shared>>
        %dma_start3A_125 = arith.constant 0 : i32
        %dma_start3A_126 = tpu.memref_slice %arg15[%add3A_98, %dma_start3A_125] : memref<10000x128xf32, #tpu.memory_space<vmem_shared>> -> memref<80x128xf32, #tpu.memory_space<vmem_shared>>
        tpu.enqueue_dma source(%arg10 : memref<80x128xf32, #tpu.memory_space<vmem>>) target(%dma_start3A_126 : memref<80x128xf32, #tpu.memory_space<vmem_shared>>) target_semaphore(%run_scoped3A_123 : memref<!tpu.dma_semaphore, #tpu.memory_space<semaphore_mem>>)
        %dma_wait3A = arith.constant 0 : i32
        %dma_wait3A_127 = tpu.memref_slice %arg15[%add3A_98, %dma_wait3A] : memref<10000x128xf32, #tpu.memory_space<vmem_shared>> -> memref<80x128xf32, #tpu.memory_space<vmem_shared>>
        %dma_wait3A_128 = arith.constant 0 : i32
        %dma_wait3A_129 = tpu.memref_slice %arg15[%add3A_98, %dma_wait3A_128] : memref<10000x128xf32, #tpu.memory_space<vmem_shared>> -> memref<80x128xf32, #tpu.memory_space<vmem_shared>>
        tpu.wait_dma2 semaphore(%run_scoped3A_123 : memref<!tpu.dma_semaphore, #tpu.memory_space<semaphore_mem>>) src(%arg10 : memref<80x128xf32, #tpu.memory_space<vmem>>) dst(%dma_wait3A_129 : memref<80x128xf32, #tpu.memory_space<vmem_shared>>)
        tpu.yield
      }) : () -> ()
      %add3A_99 = arith.constant 160 : i32
      %add3A_100 = arith.addi %mul3A_2, %add3A_99 : i32
      "tpu.region"() ({
        %run_scoped3A_123 = tpu.sem_alloc : memref<!tpu.dma_semaphore, #tpu.memory_space<semaphore_mem>>
        %dma_start3A = arith.constant 0 : i32
        %dma_start3A_124 = tpu.memref_slice %arg15[%add3A_100, %dma_start3A] : memref<10000x128xf32, #tpu.memory_space<vmem_shared>> -> memref<80x128xf32, #tpu.memory_space<vmem_shared>>
        %dma_start3A_125 = arith.constant 0 : i32
        %dma_start3A_126 = tpu.memref_slice %arg15[%add3A_100, %dma_start3A_125] : memref<10000x128xf32, #tpu.memory_space<vmem_shared>> -> memref<80x128xf32, #tpu.memory_space<vmem_shared>>
        tpu.enqueue_dma source(%arg10 : memref<80x128xf32, #tpu.memory_space<vmem>>) target(%dma_start3A_126 : memref<80x128xf32, #tpu.memory_space<vmem_shared>>) target_semaphore(%run_scoped3A_123 : memref<!tpu.dma_semaphore, #tpu.memory_space<semaphore_mem>>)
        %dma_wait3A = arith.constant 0 : i32
        %dma_wait3A_127 = tpu.memref_slice %arg15[%add3A_100, %dma_wait3A] : memref<10000x128xf32, #tpu.memory_space<vmem_shared>> -> memref<80x128xf32, #tpu.memory_space<vmem_shared>>
        %dma_wait3A_128 = arith.constant 0 : i32
        %dma_wait3A_129 = tpu.memref_slice %arg15[%add3A_100, %dma_wait3A_128] : memref<10000x128xf32, #tpu.memory_space<vmem_shared>> -> memref<80x128xf32, #tpu.memory_space<vmem_shared>>
        tpu.wait_dma2 semaphore(%run_scoped3A_123 : memref<!tpu.dma_semaphore, #tpu.memory_space<semaphore_mem>>) src(%arg10 : memref<80x128xf32, #tpu.memory_space<vmem>>) dst(%dma_wait3A_129 : memref<80x128xf32, #tpu.memory_space<vmem_shared>>)
        tpu.yield
      }) : () -> ()
      %add3A_101 = arith.constant 240 : i32
      %add3A_102 = arith.addi %mul3A_2, %add3A_101 : i32
      "tpu.region"() ({
        %run_scoped3A_123 = tpu.sem_alloc : memref<!tpu.dma_semaphore, #tpu.memory_space<semaphore_mem>>
        %dma_start3A = arith.constant 0 : i32
        %dma_start3A_124 = tpu.memref_slice %arg15[%add3A_102, %dma_start3A] : memref<10000x128xf32, #tpu.memory_space<vmem_shared>> -> memref<80x128xf32, #tpu.memory_space<vmem_shared>>
        %dma_start3A_125 = arith.constant 0 : i32
        %dma_start3A_126 = tpu.memref_slice %arg15[%add3A_102, %dma_start3A_125] : memref<10000x128xf32, #tpu.memory_space<vmem_shared>> -> memref<80x128xf32, #tpu.memory_space<vmem_shared>>
        tpu.enqueue_dma source(%arg10 : memref<80x128xf32, #tpu.memory_space<vmem>>) target(%dma_start3A_126 : memref<80x128xf32, #tpu.memory_space<vmem_shared>>) target_semaphore(%run_scoped3A_123 : memref<!tpu.dma_semaphore, #tpu.memory_space<semaphore_mem>>)
        %dma_wait3A = arith.constant 0 : i32
        %dma_wait3A_127 = tpu.memref_slice %arg15[%add3A_102, %dma_wait3A] : memref<10000x128xf32, #tpu.memory_space<vmem_shared>> -> memref<80x128xf32, #tpu.memory_space<vmem_shared>>
        %dma_wait3A_128 = arith.constant 0 : i32
        %dma_wait3A_129 = tpu.memref_slice %arg15[%add3A_102, %dma_wait3A_128] : memref<10000x128xf32, #tpu.memory_space<vmem_shared>> -> memref<80x128xf32, #tpu.memory_space<vmem_shared>>
        tpu.wait_dma2 semaphore(%run_scoped3A_123 : memref<!tpu.dma_semaphore, #tpu.memory_space<semaphore_mem>>) src(%arg10 : memref<80x128xf32, #tpu.memory_space<vmem>>) dst(%dma_wait3A_129 : memref<80x128xf32, #tpu.memory_space<vmem_shared>>)
        tpu.yield
      }) : () -> ()
      %add3A_103 = arith.constant 320 : i32
      %add3A_104 = arith.addi %mul3A_2, %add3A_103 : i32
      "tpu.region"() ({
        %run_scoped3A_123 = tpu.sem_alloc : memref<!tpu.dma_semaphore, #tpu.memory_space<semaphore_mem>>
        %dma_start3A = arith.constant 0 : i32
        %dma_start3A_124 = tpu.memref_slice %arg15[%add3A_104, %dma_start3A] : memref<10000x128xf32, #tpu.memory_space<vmem_shared>> -> memref<80x128xf32, #tpu.memory_space<vmem_shared>>
        %dma_start3A_125 = arith.constant 0 : i32
        %dma_start3A_126 = tpu.memref_slice %arg15[%add3A_104, %dma_start3A_125] : memref<10000x128xf32, #tpu.memory_space<vmem_shared>> -> memref<80x128xf32, #tpu.memory_space<vmem_shared>>
        tpu.enqueue_dma source(%arg10 : memref<80x128xf32, #tpu.memory_space<vmem>>) target(%dma_start3A_126 : memref<80x128xf32, #tpu.memory_space<vmem_shared>>) target_semaphore(%run_scoped3A_123 : memref<!tpu.dma_semaphore, #tpu.memory_space<semaphore_mem>>)
        %dma_wait3A = arith.constant 0 : i32
        %dma_wait3A_127 = tpu.memref_slice %arg15[%add3A_104, %dma_wait3A] : memref<10000x128xf32, #tpu.memory_space<vmem_shared>> -> memref<80x128xf32, #tpu.memory_space<vmem_shared>>
        %dma_wait3A_128 = arith.constant 0 : i32
        %dma_wait3A_129 = tpu.memref_slice %arg15[%add3A_104, %dma_wait3A_128] : memref<10000x128xf32, #tpu.memory_space<vmem_shared>> -> memref<80x128xf32, #tpu.memory_space<vmem_shared>>
        tpu.wait_dma2 semaphore(%run_scoped3A_123 : memref<!tpu.dma_semaphore, #tpu.memory_space<semaphore_mem>>) src(%arg10 : memref<80x128xf32, #tpu.memory_space<vmem>>) dst(%dma_wait3A_129 : memref<80x128xf32, #tpu.memory_space<vmem_shared>>)
        tpu.yield
      }) : () -> ()
      %add3A_105 = arith.constant 400 : i32
      %add3A_106 = arith.addi %mul3A_2, %add3A_105 : i32
      "tpu.region"() ({
        %run_scoped3A_123 = tpu.sem_alloc : memref<!tpu.dma_semaphore, #tpu.memory_space<semaphore_mem>>
        %dma_start3A = arith.constant 0 : i32
        %dma_start3A_124 = tpu.memref_slice %arg15[%add3A_106, %dma_start3A] : memref<10000x128xf32, #tpu.memory_space<vmem_shared>> -> memref<80x128xf32, #tpu.memory_space<vmem_shared>>
        %dma_start3A_125 = arith.constant 0 : i32
        %dma_start3A_126 = tpu.memref_slice %arg15[%add3A_106, %dma_start3A_125] : memref<10000x128xf32, #tpu.memory_space<vmem_shared>> -> memref<80x128xf32, #tpu.memory_space<vmem_shared>>
        tpu.enqueue_dma source(%arg10 : memref<80x128xf32, #tpu.memory_space<vmem>>) target(%dma_start3A_126 : memref<80x128xf32, #tpu.memory_space<vmem_shared>>) target_semaphore(%run_scoped3A_123 : memref<!tpu.dma_semaphore, #tpu.memory_space<semaphore_mem>>)
        %dma_wait3A = arith.constant 0 : i32
        %dma_wait3A_127 = tpu.memref_slice %arg15[%add3A_106, %dma_wait3A] : memref<10000x128xf32, #tpu.memory_space<vmem_shared>> -> memref<80x128xf32, #tpu.memory_space<vmem_shared>>
        %dma_wait3A_128 = arith.constant 0 : i32
        %dma_wait3A_129 = tpu.memref_slice %arg15[%add3A_106, %dma_wait3A_128] : memref<10000x128xf32, #tpu.memory_space<vmem_shared>> -> memref<80x128xf32, #tpu.memory_space<vmem_shared>>
        tpu.wait_dma2 semaphore(%run_scoped3A_123 : memref<!tpu.dma_semaphore, #tpu.memory_space<semaphore_mem>>) src(%arg10 : memref<80x128xf32, #tpu.memory_space<vmem>>) dst(%dma_wait3A_129 : memref<80x128xf32, #tpu.memory_space<vmem_shared>>)
        tpu.yield
      }) : () -> ()
      %add3A_107 = arith.constant 480 : i32
      %add3A_108 = arith.addi %mul3A_2, %add3A_107 : i32
      "tpu.region"() ({
        %run_scoped3A_123 = tpu.sem_alloc : memref<!tpu.dma_semaphore, #tpu.memory_space<semaphore_mem>>
        %dma_start3A = arith.constant 0 : i32
        %dma_start3A_124 = arith.constant 0 : i32
        %dma_start3A_125 = tpu.memref_slice %arg10[%dma_start3A, %dma_start3A_124] : memref<80x128xf32, #tpu.memory_space<vmem>> -> memref<40x128xf32, #tpu.memory_space<vmem>>
        %dma_start3A_126 = arith.constant 0 : i32
        %dma_start3A_127 = tpu.memref_slice %arg15[%add3A_108, %dma_start3A_126] : memref<10000x128xf32, #tpu.memory_space<vmem_shared>> -> memref<40x128xf32, #tpu.memory_space<vmem_shared>>
        %dma_start3A_128 = arith.constant 0 : i32
        %dma_start3A_129 = tpu.memref_slice %arg15[%add3A_108, %dma_start3A_128] : memref<10000x128xf32, #tpu.memory_space<vmem_shared>> -> memref<40x128xf32, #tpu.memory_space<vmem_shared>>
        %dma_start3A_130 = arith.constant 0 : i32
        %dma_start3A_131 = arith.constant 0 : i32
        %dma_start3A_132 = tpu.memref_slice %arg10[%dma_start3A_130, %dma_start3A_131] : memref<80x128xf32, #tpu.memory_space<vmem>> -> memref<40x128xf32, #tpu.memory_space<vmem>>
        tpu.enqueue_dma source(%dma_start3A_132 : memref<40x128xf32, #tpu.memory_space<vmem>>) target(%dma_start3A_129 : memref<40x128xf32, #tpu.memory_space<vmem_shared>>) target_semaphore(%run_scoped3A_123 : memref<!tpu.dma_semaphore, #tpu.memory_space<semaphore_mem>>)
        %dma_wait3A = arith.constant 0 : i32
        %dma_wait3A_133 = arith.constant 0 : i32
        %dma_wait3A_134 = tpu.memref_slice %arg10[%dma_wait3A, %dma_wait3A_133] : memref<80x128xf32, #tpu.memory_space<vmem>> -> memref<40x128xf32, #tpu.memory_space<vmem>>
        %dma_wait3A_135 = arith.constant 0 : i32
        %dma_wait3A_136 = tpu.memref_slice %arg15[%add3A_108, %dma_wait3A_135] : memref<10000x128xf32, #tpu.memory_space<vmem_shared>> -> memref<40x128xf32, #tpu.memory_space<vmem_shared>>
        %dma_wait3A_137 = arith.constant 0 : i32
        %dma_wait3A_138 = tpu.memref_slice %arg15[%add3A_108, %dma_wait3A_137] : memref<10000x128xf32, #tpu.memory_space<vmem_shared>> -> memref<40x128xf32, #tpu.memory_space<vmem_shared>>
        %dma_wait3A_139 = arith.constant 0 : i32
        %dma_wait3A_140 = arith.constant 0 : i32
        %dma_wait3A_141 = tpu.memref_slice %arg10[%dma_wait3A_139, %dma_wait3A_140] : memref<80x128xf32, #tpu.memory_space<vmem>> -> memref<40x128xf32, #tpu.memory_space<vmem>>
        tpu.wait_dma2 semaphore(%run_scoped3A_123 : memref<!tpu.dma_semaphore, #tpu.memory_space<semaphore_mem>>) src(%dma_wait3A_141 : memref<40x128xf32, #tpu.memory_space<vmem>>) dst(%dma_wait3A_138 : memref<40x128xf32, #tpu.memory_space<vmem_shared>>)
        tpu.yield
      }) : () -> ()
      %add3A_109 = arith.constant 0 : i32
      %add3A_110 = arith.addi %mul3A_2, %add3A_109 : i32
      %run_scoped3A = arith.constant 0 : i32
      "tpu.region"() ({
        %run_scoped3A_123 = tpu.sem_alloc : memref<!tpu.dma_semaphore, #tpu.memory_space<semaphore_mem>>
        %dma_start3A = arith.constant 0 : i32
        %dma_start3A_124 = tpu.memref_slice %arg10[%run_scoped3A, %dma_start3A] : memref<80x128xf32, #tpu.memory_space<vmem>> -> memref<1x128xf32, #tpu.memory_space<vmem>>
        %dma_start3A_125 = tpu.memref_squeeze %dma_start3A_124 : memref<1x128xf32, #tpu.memory_space<vmem>> -> memref<128xf32, #tpu.memory_space<vmem>>
        %dma_start3A_126 = tpu.memref_slice %arg16[%add3A_110] : memref<10000xf32, #tpu.memory_space<vmem_shared>> -> memref<128xf32, #tpu.memory_space<vmem_shared>>
        %dma_start3A_127 = tpu.memref_slice %arg16[%add3A_110] : memref<10000xf32, #tpu.memory_space<vmem_shared>> -> memref<128xf32, #tpu.memory_space<vmem_shared>>
        %dma_start3A_128 = arith.constant 0 : i32
        %dma_start3A_129 = tpu.memref_slice %arg10[%run_scoped3A, %dma_start3A_128] : memref<80x128xf32, #tpu.memory_space<vmem>> -> memref<1x128xf32, #tpu.memory_space<vmem>>
        %dma_start3A_130 = tpu.memref_squeeze %dma_start3A_129 : memref<1x128xf32, #tpu.memory_space<vmem>> -> memref<128xf32, #tpu.memory_space<vmem>>
        tpu.enqueue_dma source(%dma_start3A_130 : memref<128xf32, #tpu.memory_space<vmem>>) target(%dma_start3A_127 : memref<128xf32, #tpu.memory_space<vmem_shared>>) target_semaphore(%run_scoped3A_123 : memref<!tpu.dma_semaphore, #tpu.memory_space<semaphore_mem>>)
        %dma_wait3A = arith.constant 0 : i32
        %dma_wait3A_131 = tpu.memref_slice %arg10[%run_scoped3A, %dma_wait3A] : memref<80x128xf32, #tpu.memory_space<vmem>> -> memref<1x128xf32, #tpu.memory_space<vmem>>
        %dma_wait3A_132 = tpu.memref_squeeze %dma_wait3A_131 : memref<1x128xf32, #tpu.memory_space<vmem>> -> memref<128xf32, #tpu.memory_space<vmem>>
        %dma_wait3A_133 = tpu.memref_slice %arg16[%add3A_110] : memref<10000xf32, #tpu.memory_space<vmem_shared>> -> memref<128xf32, #tpu.memory_space<vmem_shared>>
        %dma_wait3A_134 = tpu.memref_slice %arg16[%add3A_110] : memref<10000xf32, #tpu.memory_space<vmem_shared>> -> memref<128xf32, #tpu.memory_space<vmem_shared>>
        %dma_wait3A_135 = arith.constant 0 : i32
        %dma_wait3A_136 = tpu.memref_slice %arg10[%run_scoped3A, %dma_wait3A_135] : memref<80x128xf32, #tpu.memory_space<vmem>> -> memref<1x128xf32, #tpu.memory_space<vmem>>
        %dma_wait3A_137 = tpu.memref_squeeze %dma_wait3A_136 : memref<1x128xf32, #tpu.memory_space<vmem>> -> memref<128xf32, #tpu.memory_space<vmem>>
        tpu.wait_dma2 semaphore(%run_scoped3A_123 : memref<!tpu.dma_semaphore, #tpu.memory_space<semaphore_mem>>) src(%dma_wait3A_137 : memref<128xf32, #tpu.memory_space<vmem>>) dst(%dma_wait3A_134 : memref<128xf32, #tpu.memory_space<vmem_shared>>)
        tpu.yield
      }) : () -> ()
      %add3A_111 = arith.constant 128 : i32
      %add3A_112 = arith.addi %mul3A_2, %add3A_111 : i32
      %run_scoped3A_113 = arith.constant 1 : i32
      "tpu.region"() ({
        %run_scoped3A_123 = tpu.sem_alloc : memref<!tpu.dma_semaphore, #tpu.memory_space<semaphore_mem>>
        %dma_start3A = arith.constant 0 : i32
        %dma_start3A_124 = tpu.memref_slice %arg10[%run_scoped3A_113, %dma_start3A] : memref<80x128xf32, #tpu.memory_space<vmem>> -> memref<1x128xf32, #tpu.memory_space<vmem>>
        %dma_start3A_125 = tpu.memref_squeeze %dma_start3A_124 : memref<1x128xf32, #tpu.memory_space<vmem>> -> memref<128xf32, #tpu.memory_space<vmem>>
        %dma_start3A_126 = tpu.memref_slice %arg16[%add3A_112] : memref<10000xf32, #tpu.memory_space<vmem_shared>> -> memref<128xf32, #tpu.memory_space<vmem_shared>>
        %dma_start3A_127 = tpu.memref_slice %arg16[%add3A_112] : memref<10000xf32, #tpu.memory_space<vmem_shared>> -> memref<128xf32, #tpu.memory_space<vmem_shared>>
        %dma_start3A_128 = arith.constant 0 : i32
        %dma_start3A_129 = tpu.memref_slice %arg10[%run_scoped3A_113, %dma_start3A_128] : memref<80x128xf32, #tpu.memory_space<vmem>> -> memref<1x128xf32, #tpu.memory_space<vmem>>
        %dma_start3A_130 = tpu.memref_squeeze %dma_start3A_129 : memref<1x128xf32, #tpu.memory_space<vmem>> -> memref<128xf32, #tpu.memory_space<vmem>>
        tpu.enqueue_dma source(%dma_start3A_130 : memref<128xf32, #tpu.memory_space<vmem>>) target(%dma_start3A_127 : memref<128xf32, #tpu.memory_space<vmem_shared>>) target_semaphore(%run_scoped3A_123 : memref<!tpu.dma_semaphore, #tpu.memory_space<semaphore_mem>>)
        %dma_wait3A = arith.constant 0 : i32
        %dma_wait3A_131 = tpu.memref_slice %arg10[%run_scoped3A_113, %dma_wait3A] : memref<80x128xf32, #tpu.memory_space<vmem>> -> memref<1x128xf32, #tpu.memory_space<vmem>>
        %dma_wait3A_132 = tpu.memref_squeeze %dma_wait3A_131 : memref<1x128xf32, #tpu.memory_space<vmem>> -> memref<128xf32, #tpu.memory_space<vmem>>
        %dma_wait3A_133 = tpu.memref_slice %arg16[%add3A_112] : memref<10000xf32, #tpu.memory_space<vmem_shared>> -> memref<128xf32, #tpu.memory_space<vmem_shared>>
        %dma_wait3A_134 = tpu.memref_slice %arg16[%add3A_112] : memref<10000xf32, #tpu.memory_space<vmem_shared>> -> memref<128xf32, #tpu.memory_space<vmem_shared>>
        %dma_wait3A_135 = arith.constant 0 : i32
        %dma_wait3A_136 = tpu.memref_slice %arg10[%run_scoped3A_113, %dma_wait3A_135] : memref<80x128xf32, #tpu.memory_space<vmem>> -> memref<1x128xf32, #tpu.memory_space<vmem>>
        %dma_wait3A_137 = tpu.memref_squeeze %dma_wait3A_136 : memref<1x128xf32, #tpu.memory_space<vmem>> -> memref<128xf32, #tpu.memory_space<vmem>>
        tpu.wait_dma2 semaphore(%run_scoped3A_123 : memref<!tpu.dma_semaphore, #tpu.memory_space<semaphore_mem>>) src(%dma_wait3A_137 : memref<128xf32, #tpu.memory_space<vmem>>) dst(%dma_wait3A_134 : memref<128xf32, #tpu.memory_space<vmem_shared>>)
        tpu.yield
      }) : () -> ()
      %add3A_114 = arith.constant 256 : i32
      %add3A_115 = arith.addi %mul3A_2, %add3A_114 : i32
      %run_scoped3A_116 = arith.constant 2 : i32
      "tpu.region"() ({
        %run_scoped3A_123 = tpu.sem_alloc : memref<!tpu.dma_semaphore, #tpu.memory_space<semaphore_mem>>
        %dma_start3A = arith.constant 0 : i32
        %dma_start3A_124 = tpu.memref_slice %arg10[%run_scoped3A_116, %dma_start3A] : memref<80x128xf32, #tpu.memory_space<vmem>> -> memref<1x128xf32, #tpu.memory_space<vmem>>
        %dma_start3A_125 = tpu.memref_squeeze %dma_start3A_124 : memref<1x128xf32, #tpu.memory_space<vmem>> -> memref<128xf32, #tpu.memory_space<vmem>>
        %dma_start3A_126 = tpu.memref_slice %arg16[%add3A_115] : memref<10000xf32, #tpu.memory_space<vmem_shared>> -> memref<128xf32, #tpu.memory_space<vmem_shared>>
        %dma_start3A_127 = tpu.memref_slice %arg16[%add3A_115] : memref<10000xf32, #tpu.memory_space<vmem_shared>> -> memref<128xf32, #tpu.memory_space<vmem_shared>>
        %dma_start3A_128 = arith.constant 0 : i32
        %dma_start3A_129 = tpu.memref_slice %arg10[%run_scoped3A_116, %dma_start3A_128] : memref<80x128xf32, #tpu.memory_space<vmem>> -> memref<1x128xf32, #tpu.memory_space<vmem>>
        %dma_start3A_130 = tpu.memref_squeeze %dma_start3A_129 : memref<1x128xf32, #tpu.memory_space<vmem>> -> memref<128xf32, #tpu.memory_space<vmem>>
        tpu.enqueue_dma source(%dma_start3A_130 : memref<128xf32, #tpu.memory_space<vmem>>) target(%dma_start3A_127 : memref<128xf32, #tpu.memory_space<vmem_shared>>) target_semaphore(%run_scoped3A_123 : memref<!tpu.dma_semaphore, #tpu.memory_space<semaphore_mem>>)
        %dma_wait3A = arith.constant 0 : i32
        %dma_wait3A_131 = tpu.memref_slice %arg10[%run_scoped3A_116, %dma_wait3A] : memref<80x128xf32, #tpu.memory_space<vmem>> -> memref<1x128xf32, #tpu.memory_space<vmem>>
        %dma_wait3A_132 = tpu.memref_squeeze %dma_wait3A_131 : memref<1x128xf32, #tpu.memory_space<vmem>> -> memref<128xf32, #tpu.memory_space<vmem>>
        %dma_wait3A_133 = tpu.memref_slice %arg16[%add3A_115] : memref<10000xf32, #tpu.memory_space<vmem_shared>> -> memref<128xf32, #tpu.memory_space<vmem_shared>>
        %dma_wait3A_134 = tpu.memref_slice %arg16[%add3A_115] : memref<10000xf32, #tpu.memory_space<vmem_shared>> -> memref<128xf32, #tpu.memory_space<vmem_shared>>
        %dma_wait3A_135 = arith.constant 0 : i32
        %dma_wait3A_136 = tpu.memref_slice %arg10[%run_scoped3A_116, %dma_wait3A_135] : memref<80x128xf32, #tpu.memory_space<vmem>> -> memref<1x128xf32, #tpu.memory_space<vmem>>
        %dma_wait3A_137 = tpu.memref_squeeze %dma_wait3A_136 : memref<1x128xf32, #tpu.memory_space<vmem>> -> memref<128xf32, #tpu.memory_space<vmem>>
        tpu.wait_dma2 semaphore(%run_scoped3A_123 : memref<!tpu.dma_semaphore, #tpu.memory_space<semaphore_mem>>) src(%dma_wait3A_137 : memref<128xf32, #tpu.memory_space<vmem>>) dst(%dma_wait3A_134 : memref<128xf32, #tpu.memory_space<vmem_shared>>)
        tpu.yield
      }) : () -> ()
      %add3A_117 = arith.constant 384 : i32
      %add3A_118 = arith.addi %mul3A_2, %add3A_117 : i32
      %run_scoped3A_119 = arith.constant 3 : i32
      "tpu.region"() ({
        %run_scoped3A_123 = tpu.sem_alloc : memref<!tpu.dma_semaphore, #tpu.memory_space<semaphore_mem>>
        %dma_start3A = arith.constant 0 : i32
        %dma_start3A_124 = tpu.memref_slice %arg10[%run_scoped3A_119, %dma_start3A] : memref<80x128xf32, #tpu.memory_space<vmem>> -> memref<1x128xf32, #tpu.memory_space<vmem>>
        %dma_start3A_125 = tpu.memref_squeeze %dma_start3A_124 : memref<1x128xf32, #tpu.memory_space<vmem>> -> memref<128xf32, #tpu.memory_space<vmem>>
        %dma_start3A_126 = tpu.memref_slice %arg16[%add3A_118] : memref<10000xf32, #tpu.memory_space<vmem_shared>> -> memref<128xf32, #tpu.memory_space<vmem_shared>>
        %dma_start3A_127 = tpu.memref_slice %arg16[%add3A_118] : memref<10000xf32, #tpu.memory_space<vmem_shared>> -> memref<128xf32, #tpu.memory_space<vmem_shared>>
        %dma_start3A_128 = arith.constant 0 : i32
        %dma_start3A_129 = tpu.memref_slice %arg10[%run_scoped3A_119, %dma_start3A_128] : memref<80x128xf32, #tpu.memory_space<vmem>> -> memref<1x128xf32, #tpu.memory_space<vmem>>
        %dma_start3A_130 = tpu.memref_squeeze %dma_start3A_129 : memref<1x128xf32, #tpu.memory_space<vmem>> -> memref<128xf32, #tpu.memory_space<vmem>>
        tpu.enqueue_dma source(%dma_start3A_130 : memref<128xf32, #tpu.memory_space<vmem>>) target(%dma_start3A_127 : memref<128xf32, #tpu.memory_space<vmem_shared>>) target_semaphore(%run_scoped3A_123 : memref<!tpu.dma_semaphore, #tpu.memory_space<semaphore_mem>>)
        %dma_wait3A = arith.constant 0 : i32
        %dma_wait3A_131 = tpu.memref_slice %arg10[%run_scoped3A_119, %dma_wait3A] : memref<80x128xf32, #tpu.memory_space<vmem>> -> memref<1x128xf32, #tpu.memory_space<vmem>>
        %dma_wait3A_132 = tpu.memref_squeeze %dma_wait3A_131 : memref<1x128xf32, #tpu.memory_space<vmem>> -> memref<128xf32, #tpu.memory_space<vmem>>
        %dma_wait3A_133 = tpu.memref_slice %arg16[%add3A_118] : memref<10000xf32, #tpu.memory_space<vmem_shared>> -> memref<128xf32, #tpu.memory_space<vmem_shared>>
        %dma_wait3A_134 = tpu.memref_slice %arg16[%add3A_118] : memref<10000xf32, #tpu.memory_space<vmem_shared>> -> memref<128xf32, #tpu.memory_space<vmem_shared>>
        %dma_wait3A_135 = arith.constant 0 : i32
        %dma_wait3A_136 = tpu.memref_slice %arg10[%run_scoped3A_119, %dma_wait3A_135] : memref<80x128xf32, #tpu.memory_space<vmem>> -> memref<1x128xf32, #tpu.memory_space<vmem>>
        %dma_wait3A_137 = tpu.memref_squeeze %dma_wait3A_136 : memref<1x128xf32, #tpu.memory_space<vmem>> -> memref<128xf32, #tpu.memory_space<vmem>>
        tpu.wait_dma2 semaphore(%run_scoped3A_123 : memref<!tpu.dma_semaphore, #tpu.memory_space<semaphore_mem>>) src(%dma_wait3A_137 : memref<128xf32, #tpu.memory_space<vmem>>) dst(%dma_wait3A_134 : memref<128xf32, #tpu.memory_space<vmem_shared>>)
        tpu.yield
      }) : () -> ()
      %add3A_120 = arith.constant 512 : i32
      %add3A_121 = arith.addi %mul3A_2, %add3A_120 : i32
      %run_scoped3A_122 = arith.constant 4 : i32
      "tpu.region"() ({
        %run_scoped3A_123 = tpu.sem_alloc : memref<!tpu.dma_semaphore, #tpu.memory_space<semaphore_mem>>
        %dma_start3A = arith.constant 0 : i32
        %dma_start3A_124 = tpu.memref_slice %arg10[%run_scoped3A_122, %dma_start3A] : memref<80x128xf32, #tpu.memory_space<vmem>> -> memref<1x8xf32, #tpu.memory_space<vmem>>
        %dma_start3A_125 = tpu.memref_squeeze %dma_start3A_124 : memref<1x8xf32, #tpu.memory_space<vmem>> -> memref<8xf32, #tpu.memory_space<vmem>>
        %dma_start3A_126 = tpu.memref_slice %arg16[%add3A_121] : memref<10000xf32, #tpu.memory_space<vmem_shared>> -> memref<8xf32, #tpu.memory_space<vmem_shared>>
        %dma_start3A_127 = tpu.memref_slice %arg16[%add3A_121] : memref<10000xf32, #tpu.memory_space<vmem_shared>> -> memref<8xf32, #tpu.memory_space<vmem_shared>>
        %dma_start3A_128 = arith.constant 0 : i32
        %dma_start3A_129 = tpu.memref_slice %arg10[%run_scoped3A_122, %dma_start3A_128] : memref<80x128xf32, #tpu.memory_space<vmem>> -> memref<1x8xf32, #tpu.memory_space<vmem>>
        %dma_start3A_130 = tpu.memref_squeeze %dma_start3A_129 : memref<1x8xf32, #tpu.memory_space<vmem>> -> memref<8xf32, #tpu.memory_space<vmem>>
        tpu.enqueue_dma source(%dma_start3A_130 : memref<8xf32, #tpu.memory_space<vmem>>) target(%dma_start3A_127 : memref<8xf32, #tpu.memory_space<vmem_shared>>) target_semaphore(%run_scoped3A_123 : memref<!tpu.dma_semaphore, #tpu.memory_space<semaphore_mem>>)
        %dma_wait3A = arith.constant 0 : i32
        %dma_wait3A_131 = tpu.memref_slice %arg10[%run_scoped3A_122, %dma_wait3A] : memref<80x128xf32, #tpu.memory_space<vmem>> -> memref<1x8xf32, #tpu.memory_space<vmem>>
        %dma_wait3A_132 = tpu.memref_squeeze %dma_wait3A_131 : memref<1x8xf32, #tpu.memory_space<vmem>> -> memref<8xf32, #tpu.memory_space<vmem>>
        %dma_wait3A_133 = tpu.memref_slice %arg16[%add3A_121] : memref<10000xf32, #tpu.memory_space<vmem_shared>> -> memref<8xf32, #tpu.memory_space<vmem_shared>>
        %dma_wait3A_134 = tpu.memref_slice %arg16[%add3A_121] : memref<10000xf32, #tpu.memory_space<vmem_shared>> -> memref<8xf32, #tpu.memory_space<vmem_shared>>
        %dma_wait3A_135 = arith.constant 0 : i32
        %dma_wait3A_136 = tpu.memref_slice %arg10[%run_scoped3A_122, %dma_wait3A_135] : memref<80x128xf32, #tpu.memory_space<vmem>> -> memref<1x8xf32, #tpu.memory_space<vmem>>
        %dma_wait3A_137 = tpu.memref_squeeze %dma_wait3A_136 : memref<1x8xf32, #tpu.memory_space<vmem>> -> memref<8xf32, #tpu.memory_space<vmem>>
        tpu.wait_dma2 semaphore(%run_scoped3A_123 : memref<!tpu.dma_semaphore, #tpu.memory_space<semaphore_mem>>) src(%dma_wait3A_137 : memref<8xf32, #tpu.memory_space<vmem>>) dst(%dma_wait3A_134 : memref<8xf32, #tpu.memory_space<vmem_shared>>)
        tpu.yield
      }) : () -> ()
    } else {
    }
    %broadcast_in_dim3A_39 = arith.constant 1.000000e+00 : f32
    %broadcast_in_dim3A_40 = vector.broadcast %broadcast_in_dim3A_39 : f32 to vector<16xf32>
    %swap3A = arith.constant 0 : index
    %swap3A_41 = tpu.vector_load %arg14[%swap3A] {strides = array<i32>} : memref<80xf32, #tpu.memory_space<vmem>>, vector<16xf32>,
    %swap3A_42 = vector.shape_cast %swap3A_41 : vector<16xf32> to vector<16xf32>
    %swap3A_43 = vector.shape_cast %broadcast_in_dim3A_40 : vector<16xf32> to vector<16xf32>
    tpu.vector_store %arg14[%swap3A], %swap3A_43 {strides = array<i32>} : memref<80xf32, #tpu.memory_space<vmem>>, vector<16xf32>,
    %broadcast_in_dim3A_44 = arith.constant 1.000000e+00 : f32
    %broadcast_in_dim3A_45 = vector.broadcast %broadcast_in_dim3A_44 : f32 to vector<16xf32>
    %swap3A_46 = arith.constant 16 : index
    %swap3A_47 = tpu.vector_load %arg14[%swap3A_46] {strides = array<i32>} : memref<80xf32, #tpu.memory_space<vmem>>, vector<16xf32>,
    %swap3A_48 = vector.shape_cast %swap3A_47 : vector<16xf32> to vector<16xf32>
    %swap3A_49 = vector.shape_cast %broadcast_in_dim3A_45 : vector<16xf32> to vector<16xf32>
    tpu.vector_store %arg14[%swap3A_46], %swap3A_49 {strides = array<i32>} : memref<80xf32, #tpu.memory_space<vmem>>, vector<16xf32>,
    %broadcast_in_dim3A_50 = arith.constant 1.000000e+00 : f32
    %broadcast_in_dim3A_51 = vector.broadcast %broadcast_in_dim3A_50 : f32 to vector<16xf32>
    %swap3A_52 = arith.constant 32 : index
    %swap3A_53 = tpu.vector_load %arg14[%swap3A_52] {strides = array<i32>} : memref<80xf32, #tpu.memory_space<vmem>>, vector<16xf32>,
    %swap3A_54 = vector.shape_cast %swap3A_53 : vector<16xf32> to vector<16xf32>
    %swap3A_55 = vector.shape_cast %broadcast_in_dim3A_51 : vector<16xf32> to vector<16xf32>
    tpu.vector_store %arg14[%swap3A_52], %swap3A_55 {strides = array<i32>} : memref<80xf32, #tpu.memory_space<vmem>>, vector<16xf32>,
    %broadcast_in_dim3A_56 = arith.constant 1.000000e+00 : f32
    %broadcast_in_dim3A_57 = vector.broadcast %broadcast_in_dim3A_56 : f32 to vector<16xf32>
    %swap3A_58 = arith.constant 48 : index
    %swap3A_59 = tpu.vector_load %arg14[%swap3A_58] {strides = array<i32>} : memref<80xf32, #tpu.memory_space<vmem>>, vector<16xf32>,
    %swap3A_60 = vector.shape_cast %swap3A_59 : vector<16xf32> to vector<16xf32>
    %swap3A_61 = vector.shape_cast %broadcast_in_dim3A_57 : vector<16xf32> to vector<16xf32>
    tpu.vector_store %arg14[%swap3A_58], %swap3A_61 {strides = array<i32>} : memref<80xf32, #tpu.memory_space<vmem>>, vector<16xf32>,
    %broadcast_in_dim3A_62 = arith.constant 1.000000e+00 : f32
    %broadcast_in_dim3A_63 = vector.broadcast %broadcast_in_dim3A_62 : f32 to vector<16xf32>
    %swap3A_64 = arith.constant 64 : index
    %swap3A_65 = tpu.vector_load %arg14[%swap3A_64] {strides = array<i32>} : memref<80xf32, #tpu.memory_space<vmem>>, vector<16xf32>,
    %swap3A_66 = vector.shape_cast %swap3A_65 : vector<16xf32> to vector<16xf32>
    %swap3A_67 = vector.shape_cast %broadcast_in_dim3A_63 : vector<16xf32> to vector<16xf32>
    tpu.vector_store %arg14[%swap3A_64], %swap3A_67 {strides = array<i32>} : memref<80xf32, #tpu.memory_space<vmem>>, vector<16xf32>,
    %gt3A_68 = arith.constant 0 : i32
    %gt3A_69 = arith.cmpi sgt, %add3A_6, %gt3A_68 : i32
    %convert_element_type3A_70 = arith.extui %gt3A_69 : i1 to i32
    %cond3A_71 = arith.constant 0 : i32
    %cond3A_72 = arith.cmpi ne, %convert_element_type3A_70, %cond3A_71 : i32
    scf.if %cond3A_72 {
      %add3A_95 = arith.constant 0 : i32
      %add3A_96 = arith.addi %add3A, %add3A_95 : i32
      %mul3A_97 = arith.constant 80 : i32
      %mul3A_98 = arith.muli %add3A_96, %mul3A_97 : i32
      %dma_start3A = arith.constant 0 : i32
      %dma_start3A_99 = tpu.memref_slice %arg2[%mul3A_98, %dma_start3A] : memref<320000x128xf32, #tpu.memory_space<hbm>> -> memref<80x128xf32, #tpu.memory_space<hbm>>
      %dma_start3A_100 = arith.constant 0 : i32
      %dma_start3A_101 = tpu.memref_slice %arg2[%mul3A_98, %dma_start3A_100] : memref<320000x128xf32, #tpu.memory_space<hbm>> -> memref<80x128xf32, #tpu.memory_space<hbm>>
      tpu.enqueue_dma source(%dma_start3A_101 : memref<80x128xf32, #tpu.memory_space<hbm>>) target(%arg10 : memref<80x128xf32, #tpu.memory_space<vmem>>) target_semaphore(%arg17 : memref<!tpu.dma_semaphore, #tpu.memory_space<semaphore_mem>>)
    } else {
    }
    %barrier3A = arith.constant 0 : index
    tpu.barrier barrier_id(%barrier3A)
    %scan3A_73 = arith.constant 0 : i32
    %scan3A_74 = arith.constant 0 : i32
    %scan3A_75 = arith.constant 32 : i32
    %scan3A_76 = arith.addi %scan3A_74, %scan3A_75 : i32
    %scan3A_77 = arith.constant 1 : i32
    scf.for %scan3A_95 = %scan3A_74 to %scan3A_76 step %scan3A_77  : i32 {
      %mul3A_96 = arith.constant 4 : i32
      %mul3A_97 = arith.muli %mul3A_96, %scan3A_95 : i32
      %add3A_98 = arith.constant 0 : i32
      %add3A_99 = arith.addi %mul3A_97, %add3A_98 : i32
      %lt3A_100 = arith.cmpi slt, %add3A_99, %add3A_6 : i32
      %convert_element_type3A_101 = arith.extui %lt3A_100 : i1 to i32
      %cond3A_102 = arith.constant 0 : i32
      %cond3A_103 = arith.cmpi ne, %convert_element_type3A_101, %cond3A_102 : i32
      scf.if %cond3A_103 {
        %dma_wait3A = arith.constant 0 : i32
        %dma_wait3A_128 = tpu.memref_slice %arg3[%dma_wait3A] : memref<640000xi32, #tpu.memory_space<hbm>> -> memref<80xi32, #tpu.memory_space<hbm>>
        %dma_wait3A_129 = arith.constant 0 : i32
        %dma_wait3A_130 = tpu.memref_slice %arg3[%dma_wait3A_129] : memref<640000xi32, #tpu.memory_space<hbm>> -> memref<80xi32, #tpu.memory_space<hbm>>
        tpu.wait_dma2 semaphore(%arg17 : memref<!tpu.dma_semaphore, #tpu.memory_space<semaphore_mem>>) src(%dma_wait3A_130 : memref<80xi32, #tpu.memory_space<hbm>>) dst(%arg6 : memref<80xi32, #tpu.memory_space<vmem>>)
        %dma_wait3A_131 = arith.constant 0 : i32
        %dma_wait3A_132 = arith.constant 0 : i32
        %dma_wait3A_133 = tpu.memref_slice %arg2[%dma_wait3A_131, %dma_wait3A_132] : memref<320000x128xf32, #tpu.memory_space<hbm>> -> memref<80x128xf32, #tpu.memory_space<hbm>>
        %dma_wait3A_134 = arith.constant 0 : i32
        %dma_wait3A_135 = arith.constant 0 : i32
        %dma_wait3A_136 = tpu.memref_slice %arg2[%dma_wait3A_134, %dma_wait3A_135] : memref<320000x128xf32, #tpu.memory_space<hbm>> -> memref<80x128xf32, #tpu.memory_space<hbm>>
        tpu.wait_dma2 semaphore(%arg17 : memref<!tpu.dma_semaphore, #tpu.memory_space<semaphore_mem>>) src(%dma_wait3A_136 : memref<80x128xf32, #tpu.memory_space<hbm>>) dst(%arg10 : memref<80x128xf32, #tpu.memory_space<vmem>>)
        %dma_start3A = arith.constant 0 : i32
        %dma_start3A_137 = tpu.memref_slice %arg16[%dma_start3A] : memref<10000xf32, #tpu.memory_space<vmem_shared>> -> memref<10000xf32, #tpu.memory_space<vmem_shared>>
        tpu.enqueue_indirect_dma source(%arg14 : memref<80xf32, #tpu.memory_space<vmem>>) target(%dma_start3A_137 : memref<10000xf32, #tpu.memory_space<vmem_shared>>) offsets(%arg6 : memref<80xi32, #tpu.memory_space<vmem>>) semaphore(%arg21 : memref<!tpu.dma_semaphore, #tpu.memory_space<semaphore_mem>>) {add = true}
        "tpu.region"() ({
          %run_scoped3A = tpu.sem_alloc : memref<!tpu.dma_semaphore, #tpu.memory_space<semaphore_mem>>
          %dma_start3A_146 = arith.constant 0 : i32
          %dma_start3A_147 = arith.constant 0 : i32
          %dma_start3A_148 = tpu.memref_slice %arg15[%dma_start3A_146, %dma_start3A_147] : memref<10000x128xf32, #tpu.memory_space<vmem_shared>> -> memref<10000x128xf32, #tpu.memory_space<vmem_shared>>
          tpu.enqueue_indirect_dma source(%arg10 : memref<80x128xf32, #tpu.memory_space<vmem>>) target(%dma_start3A_148 : memref<10000x128xf32, #tpu.memory_space<vmem_shared>>) offsets(%arg6 : memref<80xi32, #tpu.memory_space<vmem>>) semaphore(%run_scoped3A : memref<!tpu.dma_semaphore, #tpu.memory_space<semaphore_mem>>) {add = true}
          %dma_wait3A_149 = arith.constant 0 : i32
          %dma_wait3A_150 = arith.constant 0 : i32
          %dma_wait3A_151 = tpu.memref_slice %arg15[%dma_wait3A_149, %dma_wait3A_150] : memref<10000x128xf32, #tpu.memory_space<vmem_shared>> -> memref<10000x128xf32, #tpu.memory_space<vmem_shared>>
          tpu.wait_indirect_dma semaphore(%run_scoped3A : memref<!tpu.dma_semaphore, #tpu.memory_space<semaphore_mem>>) src(%arg10 : memref<80x128xf32, #tpu.memory_space<vmem>>) dst(%dma_wait3A_151 : memref<10000x128xf32, #tpu.memory_space<vmem_shared>>)
          tpu.yield
        }) : () -> ()
        %dma_wait3A_138 = arith.constant 0 : i32
        %dma_wait3A_139 = tpu.memref_slice %arg16[%dma_wait3A_138] : memref<10000xf32, #tpu.memory_space<vmem_shared>> -> memref<10000xf32, #tpu.memory_space<vmem_shared>>
        tpu.wait_indirect_dma semaphore(%arg21 : memref<!tpu.dma_semaphore, #tpu.memory_space<semaphore_mem>>) src(%arg14 : memref<80xf32, #tpu.memory_space<vmem>>) dst(%dma_wait3A_139 : memref<10000xf32, #tpu.memory_space<vmem_shared>>)
        %add3A_140 = arith.constant 4 : i32
        %add3A_141 = arith.addi %add3A_99, %add3A_140 : i32
        %lt3A_142 = arith.cmpi slt, %add3A_141, %add3A_6 : i32
        %convert_element_type3A_143 = arith.extui %lt3A_142 : i1 to i32
        %cond3A_144 = arith.constant 0 : i32
        %cond3A_145 = arith.cmpi ne, %convert_element_type3A_143, %cond3A_144 : i32
        scf.if %cond3A_145 {
          %add3A_146 = arith.constant 4 : i32
          %add3A_147 = arith.addi %add3A_99, %add3A_146 : i32
          %mul3A_148 = arith.constant 32 : i32
          %mul3A_149 = arith.muli %add3A_147, %mul3A_148 : i32
          %add3A_150 = arith.addi %add3A, %mul3A_149 : i32
          %mul3A_151 = arith.constant 80 : i32
          %mul3A_152 = arith.muli %add3A_150, %mul3A_151 : i32
          %dma_start3A_153 = tpu.memref_slice %arg3[%mul3A_152] : memref<640000xi32, #tpu.memory_space<hbm>> -> memref<80xi32, #tpu.memory_space<hbm>>
          %dma_start3A_154 = tpu.memref_slice %arg3[%mul3A_152] : memref<640000xi32, #tpu.memory_space<hbm>> -> memref<80xi32, #tpu.memory_space<hbm>>
          tpu.enqueue_dma source(%dma_start3A_154 : memref<80xi32, #tpu.memory_space<hbm>>) target(%arg6 : memref<80xi32, #tpu.memory_space<vmem>>) target_semaphore(%arg17 : memref<!tpu.dma_semaphore, #tpu.memory_space<semaphore_mem>>)
          %dma_start3A_155 = arith.constant 0 : i32
          %dma_start3A_156 = tpu.memref_slice %arg2[%mul3A_152, %dma_start3A_155] : memref<320000x128xf32, #tpu.memory_space<hbm>> -> memref<80x128xf32, #tpu.memory_space<hbm>>
          %dma_start3A_157 = arith.constant 0 : i32
          %dma_start3A_158 = tpu.memref_slice %arg2[%mul3A_152, %dma_start3A_157] : memref<320000x128xf32, #tpu.memory_space<hbm>> -> memref<80x128xf32, #tpu.memory_space<hbm>>
          tpu.enqueue_dma source(%dma_start3A_158 : memref<80x128xf32, #tpu.memory_space<hbm>>) target(%arg10 : memref<80x128xf32, #tpu.memory_space<vmem>>) target_semaphore(%arg17 : memref<!tpu.dma_semaphore, #tpu.memory_space<semaphore_mem>>)
        } else {
        }
      } else {
      }
      %mul3A_104 = arith.constant 4 : i32
      %mul3A_105 = arith.muli %mul3A_104, %scan3A_95 : i32
      %add3A_106 = arith.constant 1 : i32
      %add3A_107 = arith.addi %mul3A_105, %add3A_106 : i32
      %lt3A_108 = arith.cmpi slt, %add3A_107, %add3A_6 : i32
      %convert_element_type3A_109 = arith.extui %lt3A_108 : i1 to i32
      %cond3A_110 = arith.constant 0 : i32
      %cond3A_111 = arith.cmpi ne, %convert_element_type3A_109, %cond3A_110 : i32
      scf.if %cond3A_111 {
        %dma_wait3A = arith.constant 0 : i32
        %dma_wait3A_128 = tpu.memref_slice %arg3[%dma_wait3A] : memref<640000xi32, #tpu.memory_space<hbm>> -> memref<80xi32, #tpu.memory_space<hbm>>
        %dma_wait3A_129 = arith.constant 0 : i32
        %dma_wait3A_130 = tpu.memref_slice %arg3[%dma_wait3A_129] : memref<640000xi32, #tpu.memory_space<hbm>> -> memref<80xi32, #tpu.memory_space<hbm>>
        tpu.wait_dma2 semaphore(%arg18 : memref<!tpu.dma_semaphore, #tpu.memory_space<semaphore_mem>>) src(%dma_wait3A_130 : memref<80xi32, #tpu.memory_space<hbm>>) dst(%arg7 : memref<80xi32, #tpu.memory_space<vmem>>)
        %dma_wait3A_131 = arith.constant 0 : i32
        %dma_wait3A_132 = arith.constant 0 : i32
        %dma_wait3A_133 = tpu.memref_slice %arg2[%dma_wait3A_131, %dma_wait3A_132] : memref<320000x128xf32, #tpu.memory_space<hbm>> -> memref<80x128xf32, #tpu.memory_space<hbm>>
        %dma_wait3A_134 = arith.constant 0 : i32
        %dma_wait3A_135 = arith.constant 0 : i32
        %dma_wait3A_136 = tpu.memref_slice %arg2[%dma_wait3A_134, %dma_wait3A_135] : memref<320000x128xf32, #tpu.memory_space<hbm>> -> memref<80x128xf32, #tpu.memory_space<hbm>>
        tpu.wait_dma2 semaphore(%arg18 : memref<!tpu.dma_semaphore, #tpu.memory_space<semaphore_mem>>) src(%dma_wait3A_136 : memref<80x128xf32, #tpu.memory_space<hbm>>) dst(%arg11 : memref<80x128xf32, #tpu.memory_space<vmem>>)
        %dma_start3A = arith.constant 0 : i32
        %dma_start3A_137 = tpu.memref_slice %arg16[%dma_start3A] : memref<10000xf32, #tpu.memory_space<vmem_shared>> -> memref<10000xf32, #tpu.memory_space<vmem_shared>>
        tpu.enqueue_indirect_dma source(%arg14 : memref<80xf32, #tpu.memory_space<vmem>>) target(%dma_start3A_137 : memref<10000xf32, #tpu.memory_space<vmem_shared>>) offsets(%arg7 : memref<80xi32, #tpu.memory_space<vmem>>) semaphore(%arg22 : memref<!tpu.dma_semaphore, #tpu.memory_space<semaphore_mem>>) {add = true}
        "tpu.region"() ({
          %run_scoped3A = tpu.sem_alloc : memref<!tpu.dma_semaphore, #tpu.memory_space<semaphore_mem>>
          %dma_start3A_146 = arith.constant 0 : i32
          %dma_start3A_147 = arith.constant 0 : i32
          %dma_start3A_148 = tpu.memref_slice %arg15[%dma_start3A_146, %dma_start3A_147] : memref<10000x128xf32, #tpu.memory_space<vmem_shared>> -> memref<10000x128xf32, #tpu.memory_space<vmem_shared>>
          tpu.enqueue_indirect_dma source(%arg11 : memref<80x128xf32, #tpu.memory_space<vmem>>) target(%dma_start3A_148 : memref<10000x128xf32, #tpu.memory_space<vmem_shared>>) offsets(%arg7 : memref<80xi32, #tpu.memory_space<vmem>>) semaphore(%run_scoped3A : memref<!tpu.dma_semaphore, #tpu.memory_space<semaphore_mem>>) {add = true}
          %dma_wait3A_149 = arith.constant 0 : i32
          %dma_wait3A_150 = arith.constant 0 : i32
          %dma_wait3A_151 = tpu.memref_slice %arg15[%dma_wait3A_149, %dma_wait3A_150] : memref<10000x128xf32, #tpu.memory_space<vmem_shared>> -> memref<10000x128xf32, #tpu.memory_space<vmem_shared>>
          tpu.wait_indirect_dma semaphore(%run_scoped3A : memref<!tpu.dma_semaphore, #tpu.memory_space<semaphore_mem>>) src(%arg11 : memref<80x128xf32, #tpu.memory_space<vmem>>) dst(%dma_wait3A_151 : memref<10000x128xf32, #tpu.memory_space<vmem_shared>>)
          tpu.yield
        }) : () -> ()
        %dma_wait3A_138 = arith.constant 0 : i32
        %dma_wait3A_139 = tpu.memref_slice %arg16[%dma_wait3A_138] : memref<10000xf32, #tpu.memory_space<vmem_shared>> -> memref<10000xf32, #tpu.memory_space<vmem_shared>>
        tpu.wait_indirect_dma semaphore(%arg22 : memref<!tpu.dma_semaphore, #tpu.memory_space<semaphore_mem>>) src(%arg14 : memref<80xf32, #tpu.memory_space<vmem>>) dst(%dma_wait3A_139 : memref<10000xf32, #tpu.memory_space<vmem_shared>>)
        %add3A_140 = arith.constant 4 : i32
        %add3A_141 = arith.addi %add3A_107, %add3A_140 : i32
        %lt3A_142 = arith.cmpi slt, %add3A_141, %add3A_6 : i32
        %convert_element_type3A_143 = arith.extui %lt3A_142 : i1 to i32
        %cond3A_144 = arith.constant 0 : i32
        %cond3A_145 = arith.cmpi ne, %convert_element_type3A_143, %cond3A_144 : i32
        scf.if %cond3A_145 {
          %add3A_146 = arith.constant 4 : i32
          %add3A_147 = arith.addi %add3A_107, %add3A_146 : i32
          %mul3A_148 = arith.constant 32 : i32
          %mul3A_149 = arith.muli %add3A_147, %mul3A_148 : i32
          %add3A_150 = arith.addi %add3A, %mul3A_149 : i32
          %mul3A_151 = arith.constant 80 : i32
          %mul3A_152 = arith.muli %add3A_150, %mul3A_151 : i32
          %dma_start3A_153 = tpu.memref_slice %arg3[%mul3A_152] : memref<640000xi32, #tpu.memory_space<hbm>> -> memref<80xi32, #tpu.memory_space<hbm>>
          %dma_start3A_154 = tpu.memref_slice %arg3[%mul3A_152] : memref<640000xi32, #tpu.memory_space<hbm>> -> memref<80xi32, #tpu.memory_space<hbm>>
          tpu.enqueue_dma source(%dma_start3A_154 : memref<80xi32, #tpu.memory_space<hbm>>) target(%arg7 : memref<80xi32, #tpu.memory_space<vmem>>) target_semaphore(%arg18 : memref<!tpu.dma_semaphore, #tpu.memory_space<semaphore_mem>>)
          %dma_start3A_155 = arith.constant 0 : i32
          %dma_start3A_156 = tpu.memref_slice %arg2[%mul3A_152, %dma_start3A_155] : memref<320000x128xf32, #tpu.memory_space<hbm>> -> memref<80x128xf32, #tpu.memory_space<hbm>>
          %dma_start3A_157 = arith.constant 0 : i32
          %dma_start3A_158 = tpu.memref_slice %arg2[%mul3A_152, %dma_start3A_157] : memref<320000x128xf32, #tpu.memory_space<hbm>> -> memref<80x128xf32, #tpu.memory_space<hbm>>
          tpu.enqueue_dma source(%dma_start3A_158 : memref<80x128xf32, #tpu.memory_space<hbm>>) target(%arg11 : memref<80x128xf32, #tpu.memory_space<vmem>>) target_semaphore(%arg18 : memref<!tpu.dma_semaphore, #tpu.memory_space<semaphore_mem>>)
        } else {
        }
      } else {
      }
      %mul3A_112 = arith.constant 4 : i32
      %mul3A_113 = arith.muli %mul3A_112, %scan3A_95 : i32
      %add3A_114 = arith.constant 2 : i32
      %add3A_115 = arith.addi %mul3A_113, %add3A_114 : i32
      %lt3A_116 = arith.cmpi slt, %add3A_115, %add3A_6 : i32
      %convert_element_type3A_117 = arith.extui %lt3A_116 : i1 to i32
      %cond3A_118 = arith.constant 0 : i32
      %cond3A_119 = arith.cmpi ne, %convert_element_type3A_117, %cond3A_118 : i32
      scf.if %cond3A_119 {
        %dma_wait3A = arith.constant 0 : i32
        %dma_wait3A_128 = tpu.memref_slice %arg3[%dma_wait3A] : memref<640000xi32, #tpu.memory_space<hbm>> -> memref<80xi32, #tpu.memory_space<hbm>>
        %dma_wait3A_129 = arith.constant 0 : i32
        %dma_wait3A_130 = tpu.memref_slice %arg3[%dma_wait3A_129] : memref<640000xi32, #tpu.memory_space<hbm>> -> memref<80xi32, #tpu.memory_space<hbm>>
        tpu.wait_dma2 semaphore(%arg19 : memref<!tpu.dma_semaphore, #tpu.memory_space<semaphore_mem>>) src(%dma_wait3A_130 : memref<80xi32, #tpu.memory_space<hbm>>) dst(%arg8 : memref<80xi32, #tpu.memory_space<vmem>>)
        %dma_wait3A_131 = arith.constant 0 : i32
        %dma_wait3A_132 = arith.constant 0 : i32
        %dma_wait3A_133 = tpu.memref_slice %arg2[%dma_wait3A_131, %dma_wait3A_132] : memref<320000x128xf32, #tpu.memory_space<hbm>> -> memref<80x128xf32, #tpu.memory_space<hbm>>
        %dma_wait3A_134 = arith.constant 0 : i32
        %dma_wait3A_135 = arith.constant 0 : i32
        %dma_wait3A_136 = tpu.memref_slice %arg2[%dma_wait3A_134, %dma_wait3A_135] : memref<320000x128xf32, #tpu.memory_space<hbm>> -> memref<80x128xf32, #tpu.memory_space<hbm>>
        tpu.wait_dma2 semaphore(%arg19 : memref<!tpu.dma_semaphore, #tpu.memory_space<semaphore_mem>>) src(%dma_wait3A_136 : memref<80x128xf32, #tpu.memory_space<hbm>>) dst(%arg12 : memref<80x128xf32, #tpu.memory_space<vmem>>)
        %dma_start3A = arith.constant 0 : i32
        %dma_start3A_137 = tpu.memref_slice %arg16[%dma_start3A] : memref<10000xf32, #tpu.memory_space<vmem_shared>> -> memref<10000xf32, #tpu.memory_space<vmem_shared>>
        tpu.enqueue_indirect_dma source(%arg14 : memref<80xf32, #tpu.memory_space<vmem>>) target(%dma_start3A_137 : memref<10000xf32, #tpu.memory_space<vmem_shared>>) offsets(%arg8 : memref<80xi32, #tpu.memory_space<vmem>>) semaphore(%arg23 : memref<!tpu.dma_semaphore, #tpu.memory_space<semaphore_mem>>) {add = true}
        "tpu.region"() ({
          %run_scoped3A = tpu.sem_alloc : memref<!tpu.dma_semaphore, #tpu.memory_space<semaphore_mem>>
          %dma_start3A_146 = arith.constant 0 : i32
          %dma_start3A_147 = arith.constant 0 : i32
          %dma_start3A_148 = tpu.memref_slice %arg15[%dma_start3A_146, %dma_start3A_147] : memref<10000x128xf32, #tpu.memory_space<vmem_shared>> -> memref<10000x128xf32, #tpu.memory_space<vmem_shared>>
          tpu.enqueue_indirect_dma source(%arg12 : memref<80x128xf32, #tpu.memory_space<vmem>>) target(%dma_start3A_148 : memref<10000x128xf32, #tpu.memory_space<vmem_shared>>) offsets(%arg8 : memref<80xi32, #tpu.memory_space<vmem>>) semaphore(%run_scoped3A : memref<!tpu.dma_semaphore, #tpu.memory_space<semaphore_mem>>) {add = true}
          %dma_wait3A_149 = arith.constant 0 : i32
          %dma_wait3A_150 = arith.constant 0 : i32
          %dma_wait3A_151 = tpu.memref_slice %arg15[%dma_wait3A_149, %dma_wait3A_150] : memref<10000x128xf32, #tpu.memory_space<vmem_shared>> -> memref<10000x128xf32, #tpu.memory_space<vmem_shared>>
          tpu.wait_indirect_dma semaphore(%run_scoped3A : memref<!tpu.dma_semaphore, #tpu.memory_space<semaphore_mem>>) src(%arg12 : memref<80x128xf32, #tpu.memory_space<vmem>>) dst(%dma_wait3A_151 : memref<10000x128xf32, #tpu.memory_space<vmem_shared>>)
          tpu.yield
        }) : () -> ()
        %dma_wait3A_138 = arith.constant 0 : i32
        %dma_wait3A_139 = tpu.memref_slice %arg16[%dma_wait3A_138] : memref<10000xf32, #tpu.memory_space<vmem_shared>> -> memref<10000xf32, #tpu.memory_space<vmem_shared>>
        tpu.wait_indirect_dma semaphore(%arg23 : memref<!tpu.dma_semaphore, #tpu.memory_space<semaphore_mem>>) src(%arg14 : memref<80xf32, #tpu.memory_space<vmem>>) dst(%dma_wait3A_139 : memref<10000xf32, #tpu.memory_space<vmem_shared>>)
        %add3A_140 = arith.constant 4 : i32
        %add3A_141 = arith.addi %add3A_115, %add3A_140 : i32
        %lt3A_142 = arith.cmpi slt, %add3A_141, %add3A_6 : i32
        %convert_element_type3A_143 = arith.extui %lt3A_142 : i1 to i32
        %cond3A_144 = arith.constant 0 : i32
        %cond3A_145 = arith.cmpi ne, %convert_element_type3A_143, %cond3A_144 : i32
        scf.if %cond3A_145 {
          %add3A_146 = arith.constant 4 : i32
          %add3A_147 = arith.addi %add3A_115, %add3A_146 : i32
          %mul3A_148 = arith.constant 32 : i32
          %mul3A_149 = arith.muli %add3A_147, %mul3A_148 : i32
          %add3A_150 = arith.addi %add3A, %mul3A_149 : i32
          %mul3A_151 = arith.constant 80 : i32
          %mul3A_152 = arith.muli %add3A_150, %mul3A_151 : i32
          %dma_start3A_153 = tpu.memref_slice %arg3[%mul3A_152] : memref<640000xi32, #tpu.memory_space<hbm>> -> memref<80xi32, #tpu.memory_space<hbm>>
          %dma_start3A_154 = tpu.memref_slice %arg3[%mul3A_152] : memref<640000xi32, #tpu.memory_space<hbm>> -> memref<80xi32, #tpu.memory_space<hbm>>
          tpu.enqueue_dma source(%dma_start3A_154 : memref<80xi32, #tpu.memory_space<hbm>>) target(%arg8 : memref<80xi32, #tpu.memory_space<vmem>>) target_semaphore(%arg19 : memref<!tpu.dma_semaphore, #tpu.memory_space<semaphore_mem>>)
          %dma_start3A_155 = arith.constant 0 : i32
          %dma_start3A_156 = tpu.memref_slice %arg2[%mul3A_152, %dma_start3A_155] : memref<320000x128xf32, #tpu.memory_space<hbm>> -> memref<80x128xf32, #tpu.memory_space<hbm>>
          %dma_start3A_157 = arith.constant 0 : i32
          %dma_start3A_158 = tpu.memref_slice %arg2[%mul3A_152, %dma_start3A_157] : memref<320000x128xf32, #tpu.memory_space<hbm>> -> memref<80x128xf32, #tpu.memory_space<hbm>>
          tpu.enqueue_dma source(%dma_start3A_158 : memref<80x128xf32, #tpu.memory_space<hbm>>) target(%arg12 : memref<80x128xf32, #tpu.memory_space<vmem>>) target_semaphore(%arg19 : memref<!tpu.dma_semaphore, #tpu.memory_space<semaphore_mem>>)
        } else {
        }
      } else {
      }
      %mul3A_120 = arith.constant 4 : i32
      %mul3A_121 = arith.muli %mul3A_120, %scan3A_95 : i32
      %add3A_122 = arith.constant 3 : i32
      %add3A_123 = arith.addi %mul3A_121, %add3A_122 : i32
      %lt3A_124 = arith.cmpi slt, %add3A_123, %add3A_6 : i32
      %convert_element_type3A_125 = arith.extui %lt3A_124 : i1 to i32
      %cond3A_126 = arith.constant 0 : i32
      %cond3A_127 = arith.cmpi ne, %convert_element_type3A_125, %cond3A_126 : i32
      scf.if %cond3A_127 {
        %dma_wait3A = arith.constant 0 : i32
        %dma_wait3A_128 = tpu.memref_slice %arg3[%dma_wait3A] : memref<640000xi32, #tpu.memory_space<hbm>> -> memref<80xi32, #tpu.memory_space<hbm>>
        %dma_wait3A_129 = arith.constant 0 : i32
        %dma_wait3A_130 = tpu.memref_slice %arg3[%dma_wait3A_129] : memref<640000xi32, #tpu.memory_space<hbm>> -> memref<80xi32, #tpu.memory_space<hbm>>
        tpu.wait_dma2 semaphore(%arg20 : memref<!tpu.dma_semaphore, #tpu.memory_space<semaphore_mem>>) src(%dma_wait3A_130 : memref<80xi32, #tpu.memory_space<hbm>>) dst(%arg9 : memref<80xi32, #tpu.memory_space<vmem>>)
        %dma_wait3A_131 = arith.constant 0 : i32
        %dma_wait3A_132 = arith.constant 0 : i32
        %dma_wait3A_133 = tpu.memref_slice %arg2[%dma_wait3A_131, %dma_wait3A_132] : memref<320000x128xf32, #tpu.memory_space<hbm>> -> memref<80x128xf32, #tpu.memory_space<hbm>>
        %dma_wait3A_134 = arith.constant 0 : i32
        %dma_wait3A_135 = arith.constant 0 : i32
        %dma_wait3A_136 = tpu.memref_slice %arg2[%dma_wait3A_134, %dma_wait3A_135] : memref<320000x128xf32, #tpu.memory_space<hbm>> -> memref<80x128xf32, #tpu.memory_space<hbm>>
        tpu.wait_dma2 semaphore(%arg20 : memref<!tpu.dma_semaphore, #tpu.memory_space<semaphore_mem>>) src(%dma_wait3A_136 : memref<80x128xf32, #tpu.memory_space<hbm>>) dst(%arg13 : memref<80x128xf32, #tpu.memory_space<vmem>>)
        %dma_start3A = arith.constant 0 : i32
        %dma_start3A_137 = tpu.memref_slice %arg16[%dma_start3A] : memref<10000xf32, #tpu.memory_space<vmem_shared>> -> memref<10000xf32, #tpu.memory_space<vmem_shared>>
        tpu.enqueue_indirect_dma source(%arg14 : memref<80xf32, #tpu.memory_space<vmem>>) target(%dma_start3A_137 : memref<10000xf32, #tpu.memory_space<vmem_shared>>) offsets(%arg9 : memref<80xi32, #tpu.memory_space<vmem>>) semaphore(%arg24 : memref<!tpu.dma_semaphore, #tpu.memory_space<semaphore_mem>>) {add = true}
        "tpu.region"() ({
          %run_scoped3A = tpu.sem_alloc : memref<!tpu.dma_semaphore, #tpu.memory_space<semaphore_mem>>
          %dma_start3A_146 = arith.constant 0 : i32
          %dma_start3A_147 = arith.constant 0 : i32
          %dma_start3A_148 = tpu.memref_slice %arg15[%dma_start3A_146, %dma_start3A_147] : memref<10000x128xf32, #tpu.memory_space<vmem_shared>> -> memref<10000x128xf32, #tpu.memory_space<vmem_shared>>
          tpu.enqueue_indirect_dma source(%arg13 : memref<80x128xf32, #tpu.memory_space<vmem>>) target(%dma_start3A_148 : memref<10000x128xf32, #tpu.memory_space<vmem_shared>>) offsets(%arg9 : memref<80xi32, #tpu.memory_space<vmem>>) semaphore(%run_scoped3A : memref<!tpu.dma_semaphore, #tpu.memory_space<semaphore_mem>>) {add = true}
          %dma_wait3A_149 = arith.constant 0 : i32
          %dma_wait3A_150 = arith.constant 0 : i32
          %dma_wait3A_151 = tpu.memref_slice %arg15[%dma_wait3A_149, %dma_wait3A_150] : memref<10000x128xf32, #tpu.memory_space<vmem_shared>> -> memref<10000x128xf32, #tpu.memory_space<vmem_shared>>
          tpu.wait_indirect_dma semaphore(%run_scoped3A : memref<!tpu.dma_semaphore, #tpu.memory_space<semaphore_mem>>) src(%arg13 : memref<80x128xf32, #tpu.memory_space<vmem>>) dst(%dma_wait3A_151 : memref<10000x128xf32, #tpu.memory_space<vmem_shared>>)
          tpu.yield
        }) : () -> ()
        %dma_wait3A_138 = arith.constant 0 : i32
        %dma_wait3A_139 = tpu.memref_slice %arg16[%dma_wait3A_138] : memref<10000xf32, #tpu.memory_space<vmem_shared>> -> memref<10000xf32, #tpu.memory_space<vmem_shared>>
        tpu.wait_indirect_dma semaphore(%arg24 : memref<!tpu.dma_semaphore, #tpu.memory_space<semaphore_mem>>) src(%arg14 : memref<80xf32, #tpu.memory_space<vmem>>) dst(%dma_wait3A_139 : memref<10000xf32, #tpu.memory_space<vmem_shared>>)
        %add3A_140 = arith.constant 4 : i32
        %add3A_141 = arith.addi %add3A_123, %add3A_140 : i32
        %lt3A_142 = arith.cmpi slt, %add3A_141, %add3A_6 : i32
        %convert_element_type3A_143 = arith.extui %lt3A_142 : i1 to i32
        %cond3A_144 = arith.constant 0 : i32
        %cond3A_145 = arith.cmpi ne, %convert_element_type3A_143, %cond3A_144 : i32
        scf.if %cond3A_145 {
          %add3A_146 = arith.constant 4 : i32
          %add3A_147 = arith.addi %add3A_123, %add3A_146 : i32
          %mul3A_148 = arith.constant 32 : i32
          %mul3A_149 = arith.muli %add3A_147, %mul3A_148 : i32
          %add3A_150 = arith.addi %add3A, %mul3A_149 : i32
          %mul3A_151 = arith.constant 80 : i32
          %mul3A_152 = arith.muli %add3A_150, %mul3A_151 : i32
          %dma_start3A_153 = tpu.memref_slice %arg3[%mul3A_152] : memref<640000xi32, #tpu.memory_space<hbm>> -> memref<80xi32, #tpu.memory_space<hbm>>
          %dma_start3A_154 = tpu.memref_slice %arg3[%mul3A_152] : memref<640000xi32, #tpu.memory_space<hbm>> -> memref<80xi32, #tpu.memory_space<hbm>>
          tpu.enqueue_dma source(%dma_start3A_154 : memref<80xi32, #tpu.memory_space<hbm>>) target(%arg9 : memref<80xi32, #tpu.memory_space<vmem>>) target_semaphore(%arg20 : memref<!tpu.dma_semaphore, #tpu.memory_space<semaphore_mem>>)
          %dma_start3A_155 = arith.constant 0 : i32
          %dma_start3A_156 = tpu.memref_slice %arg2[%mul3A_152, %dma_start3A_155] : memref<320000x128xf32, #tpu.memory_space<hbm>> -> memref<80x128xf32, #tpu.memory_space<hbm>>
          %dma_start3A_157 = arith.constant 0 : i32
          %dma_start3A_158 = tpu.memref_slice %arg2[%mul3A_152, %dma_start3A_157] : memref<320000x128xf32, #tpu.memory_space<hbm>> -> memref<80x128xf32, #tpu.memory_space<hbm>>
          tpu.enqueue_dma source(%dma_start3A_158 : memref<80x128xf32, #tpu.memory_space<hbm>>) target(%arg13 : memref<80x128xf32, #tpu.memory_space<vmem>>) target_semaphore(%arg20 : memref<!tpu.dma_semaphore, #tpu.memory_space<semaphore_mem>>)
        } else {
        }
      } else {
      }
    }
    %scan3A_78 = arith.constant 32 : i32
    %barrier3A_79 = arith.constant 0 : index
    tpu.barrier barrier_id(%barrier3A_79)
    %lt3A_80 = arith.constant 15 : i32
    %lt3A_81 = arith.cmpi slt, %arg1, %lt3A_80 : i32
    %convert_element_type3A_82 = arith.extui %lt3A_81 : i1 to i32
    %cond3A_83 = arith.constant 0 : i32
    %cond3A_84 = arith.cmpi ne, %convert_element_type3A_82, %cond3A_83 : i32
    scf.if %cond3A_84 {
      "tpu.region"() ({
        %run_scoped3A = tpu.sem_alloc : memref<!tpu.dma_semaphore, #tpu.memory_space<semaphore_mem>>
        %dma_start3A = arith.constant 0 : i32
        %dma_start3A_95 = tpu.memref_slice %arg4[%arg0, %mul3A_2, %dma_start3A] : memref<2x10000x128xf32, #tpu.memory_space<hbm>> -> memref<1x632x128xf32, #tpu.memory_space<hbm>>
        %dma_start3A_96 = tpu.memref_squeeze %dma_start3A_95 : memref<1x632x128xf32, #tpu.memory_space<hbm>> -> memref<632x128xf32, #tpu.memory_space<hbm>>
        %dma_start3A_97 = arith.constant 0 : i32
        %dma_start3A_98 = tpu.memref_slice %arg15[%mul3A_2, %dma_start3A_97] : memref<10000x128xf32, #tpu.memory_space<vmem_shared>> -> memref<632x128xf32, #tpu.memory_space<vmem_shared>>
        tpu.enqueue_dma source(%dma_start3A_98 : memref<632x128xf32, #tpu.memory_space<vmem_shared>>) target(%dma_start3A_96 : memref<632x128xf32, #tpu.memory_space<hbm>>) target_semaphore(%run_scoped3A : memref<!tpu.dma_semaphore, #tpu.memory_space<semaphore_mem>>)
        %dma_wait3A = arith.constant 0 : i32
        %dma_wait3A_99 = tpu.memref_slice %arg4[%arg0, %mul3A_2, %dma_wait3A] : memref<2x10000x128xf32, #tpu.memory_space<hbm>> -> memref<1x632x128xf32, #tpu.memory_space<hbm>>
        %dma_wait3A_100 = tpu.memref_squeeze %dma_wait3A_99 : memref<1x632x128xf32, #tpu.memory_space<hbm>> -> memref<632x128xf32, #tpu.memory_space<hbm>>
        %dma_wait3A_101 = arith.constant 0 : i32
        %dma_wait3A_102 = tpu.memref_slice %arg15[%mul3A_2, %dma_wait3A_101] : memref<10000x128xf32, #tpu.memory_space<vmem_shared>> -> memref<632x128xf32, #tpu.memory_space<vmem_shared>>
        tpu.wait_dma2 semaphore(%run_scoped3A : memref<!tpu.dma_semaphore, #tpu.memory_space<semaphore_mem>>) src(%dma_wait3A_102 : memref<632x128xf32, #tpu.memory_space<vmem_shared>>) dst(%dma_wait3A_100 : memref<632x128xf32, #tpu.memory_space<hbm>>)
        tpu.yield
      }) : () -> ()
    } else {
    }
    %eq3A_85 = arith.constant 15 : i32
    %eq3A_86 = arith.cmpi eq, %arg1, %eq3A_85 : i32
    %convert_element_type3A_87 = arith.extui %eq3A_86 : i1 to i32
    %cond3A_88 = arith.constant 0 : i32
    %cond3A_89 = arith.cmpi ne, %convert_element_type3A_87, %cond3A_88 : i32
    scf.if %cond3A_89 {
      "tpu.region"() ({
        %run_scoped3A = tpu.sem_alloc : memref<!tpu.dma_semaphore, #tpu.memory_space<semaphore_mem>>
        %dma_start3A = arith.constant 0 : i32
        %dma_start3A_95 = tpu.memref_slice %arg4[%arg0, %mul3A_2, %dma_start3A] : memref<2x10000x128xf32, #tpu.memory_space<hbm>> -> memref<1x520x128xf32, #tpu.memory_space<hbm>>
        %dma_start3A_96 = tpu.memref_squeeze %dma_start3A_95 : memref<1x520x128xf32, #tpu.memory_space<hbm>> -> memref<520x128xf32, #tpu.memory_space<hbm>>
        %dma_start3A_97 = arith.constant 0 : i32
        %dma_start3A_98 = tpu.memref_slice %arg15[%mul3A_2, %dma_start3A_97] : memref<10000x128xf32, #tpu.memory_space<vmem_shared>> -> memref<520x128xf32, #tpu.memory_space<vmem_shared>>
        tpu.enqueue_dma source(%dma_start3A_98 : memref<520x128xf32, #tpu.memory_space<vmem_shared>>) target(%dma_start3A_96 : memref<520x128xf32, #tpu.memory_space<hbm>>) target_semaphore(%run_scoped3A : memref<!tpu.dma_semaphore, #tpu.memory_space<semaphore_mem>>)
        %dma_wait3A = arith.constant 0 : i32
        %dma_wait3A_99 = tpu.memref_slice %arg4[%arg0, %mul3A_2, %dma_wait3A] : memref<2x10000x128xf32, #tpu.memory_space<hbm>> -> memref<1x520x128xf32, #tpu.memory_space<hbm>>
        %dma_wait3A_100 = tpu.memref_squeeze %dma_wait3A_99 : memref<1x520x128xf32, #tpu.memory_space<hbm>> -> memref<520x128xf32, #tpu.memory_space<hbm>>
        %dma_wait3A_101 = arith.constant 0 : i32
        %dma_wait3A_102 = tpu.memref_slice %arg15[%mul3A_2, %dma_wait3A_101] : memref<10000x128xf32, #tpu.memory_space<vmem_shared>> -> memref<520x128xf32, #tpu.memory_space<vmem_shared>>
        tpu.wait_dma2 semaphore(%run_scoped3A : memref<!tpu.dma_semaphore, #tpu.memory_space<semaphore_mem>>) src(%dma_wait3A_102 : memref<520x128xf32, #tpu.memory_space<vmem_shared>>) dst(%dma_wait3A_100 : memref<520x128xf32, #tpu.memory_space<hbm>>)
        tpu.yield
      }) : () -> ()
    } else {
    }
    %eq3A_90 = arith.constant 0 : i32
    %eq3A_91 = arith.cmpi eq, %arg1, %eq3A_90 : i32
    %convert_element_type3A_92 = arith.extui %eq3A_91 : i1 to i32
    %cond3A_93 = arith.constant 0 : i32
    %cond3A_94 = arith.cmpi ne, %convert_element_type3A_92, %cond3A_93 : i32
    scf.if %cond3A_94 {
      "tpu.region"() ({
        %run_scoped3A = tpu.sem_alloc : memref<!tpu.dma_semaphore, #tpu.memory_space<semaphore_mem>>
        %dma_start3A = arith.constant 0 : i32
        %dma_start3A_95 = tpu.memref_slice %arg5[%arg0, %dma_start3A] : memref<2x10000xf32, #tpu.memory_space<hbm>> -> memref<1x10000xf32, #tpu.memory_space<hbm>>
        %dma_start3A_96 = tpu.memref_squeeze %dma_start3A_95 : memref<1x10000xf32, #tpu.memory_space<hbm>> -> memref<10000xf32, #tpu.memory_space<hbm>>
        tpu.enqueue_dma source(%arg16 : memref<10000xf32, #tpu.memory_space<vmem_shared>>) target(%dma_start3A_96 : memref<10000xf32, #tpu.memory_space<hbm>>) target_semaphore(%run_scoped3A : memref<!tpu.dma_semaphore, #tpu.memory_space<semaphore_mem>>)
        %dma_wait3A = arith.constant 0 : i32
        %dma_wait3A_97 = tpu.memref_slice %arg5[%arg0, %dma_wait3A] : memref<2x10000xf32, #tpu.memory_space<hbm>> -> memref<1x10000xf32, #tpu.memory_space<hbm>>
        %dma_wait3A_98 = tpu.memref_squeeze %dma_wait3A_97 : memref<1x10000xf32, #tpu.memory_space<hbm>> -> memref<10000xf32, #tpu.memory_space<hbm>>
        tpu.wait_dma2 semaphore(%run_scoped3A : memref<!tpu.dma_semaphore, #tpu.memory_space<semaphore_mem>>) src(%arg16 : memref<10000xf32, #tpu.memory_space<vmem_shared>>) dst(%dma_wait3A_98 : memref<10000xf32, #tpu.memory_space<hbm>>)
        tpu.yield
      }) : () -> ()
    } else {
    }
    return
  }
}

module attributes {stable_mosaic.version = 14 : i64} {
  func.func @body(%arg0: i32, %arg1: memref<1xf32, #tpu.memory_space<smem>>, %arg2: memref<2x2000x128xf32, #tpu.memory_space<vmem>>, %arg3: memref<2x2000x1xf32, #tpu.memory_space<vmem>>, %arg4: memref<2000x128xf32, #tpu.memory_space<vmem>>) attributes {dimension_semantics = [#tpu.dimension_semantics<arbitrary>], iteration_bounds = array<i64: 5>, scalar_prefetch = 0 : i64, scratch_operands = 0 : i64, tpu.core_type = #tpu.core_type<tc>, window_params = [{transform_indices = @transform_0, window_bounds = array<i64: 1>}, {transform_indices = @transform_1, window_bounds = array<i64: 2, 2000, 128>}, {transform_indices = @transform_2, window_bounds = array<i64: 2, 2000, 1>}, {transform_indices = @transform_3, window_bounds = array<i64: 2000, 128>}]} {
    %get3A = arith.constant 0 : index
    %get3A_0 = arith.constant 0 : index
    %get3A_1 = arith.constant 0 : index
    %get3A_2 = vector.load %arg2[%get3A, %get3A_0, %get3A_1] : memref<2x2000x128xf32, #tpu.memory_space<vmem>>, vector<1x2000x128xf32>
    %get3A_3 = vector.shape_cast %get3A_2 : vector<1x2000x128xf32> to vector<2000x128xf32>
    %get3A_4 = arith.constant 1 : index
    %get3A_5 = arith.constant 0 : index
    %get3A_6 = arith.constant 0 : index
    %get3A_7 = vector.load %arg2[%get3A_4, %get3A_5, %get3A_6] : memref<2x2000x128xf32, #tpu.memory_space<vmem>>, vector<1x2000x128xf32>
    %get3A_8 = vector.shape_cast %get3A_7 : vector<1x2000x128xf32> to vector<2000x128xf32>
    %add3A = arith.addf %get3A_3, %get3A_8 : vector<2000x128xf32>
    %get3A_9 = arith.constant 0 : index
    %get3A_10 = arith.constant 0 : index
    %get3A_11 = arith.constant 0 : index
    %get3A_12 = vector.load %arg3[%get3A_9, %get3A_10, %get3A_11] : memref<2x2000x1xf32, #tpu.memory_space<vmem>>, vector<1x2000x1xf32>
    %get3A_13 = vector.shape_cast %get3A_12 : vector<1x2000x1xf32> to vector<2000x1xf32>
    %get3A_14 = arith.constant 1 : index
    %get3A_15 = arith.constant 0 : index
    %get3A_16 = arith.constant 0 : index
    %get3A_17 = vector.load %arg3[%get3A_14, %get3A_15, %get3A_16] : memref<2x2000x1xf32, #tpu.memory_space<vmem>>, vector<1x2000x1xf32>
    %get3A_18 = vector.shape_cast %get3A_17 : vector<1x2000x1xf32> to vector<2000x1xf32>
    %add3A_19 = arith.addf %get3A_13, %get3A_18 : vector<2000x1xf32>
    %max3A = arith.constant 1.000000e+00 : f32
    %max3A_20 = vector.broadcast %max3A : f32 to vector<2000x1xf32>
    %max3A_21 = arith.maximumf %add3A_19, %max3A_20 : vector<2000x1xf32>
    %div3A = vector.broadcast %max3A_21 : vector<2000x1xf32> to vector<2000x128xf32>
    %div3A_22 = arith.divf %add3A, %div3A : vector<2000x128xf32>
    %get3A_23 = arith.constant 0 : index
    %get3A_24 = memref.load %arg1[%get3A_23] : memref<1xf32, #tpu.memory_space<smem>>
    %mul3A = vector.broadcast %get3A_24 : f32 to vector<2000x128xf32>
    %mul3A_25 = arith.mulf %div3A_22, %mul3A : vector<2000x128xf32>
    %swap3A = arith.constant 0 : index
    %swap3A_26 = arith.constant 0 : index
    %swap3A_27 = vector.load %arg4[%swap3A, %swap3A_26] : memref<2000x128xf32, #tpu.memory_space<vmem>>, vector<2000x128xf32>
    tpu.vector_store %arg4[%swap3A, %swap3A_26], %mul3A_25 {strides = array<i32>} : memref<2000x128xf32, #tpu.memory_space<vmem>>, vector<2000x128xf32>,
    return
  }
  func.func @transform_0(%arg0: i32) -> i32 {
    %c0_i32 = arith.constant 0 : i32
    %c0_i32_0 = arith.constant 0 : i32
    return %c0_i32 : i32
  }
  func.func @transform_1(%arg0: i32) -> (i32, i32, i32) {
    %c0_i32 = arith.constant 0 : i32
    %c0_i32_0 = arith.constant 0 : i32
    %c0_i32_1 = arith.constant 0 : i32
    return %c0_i32, %arg0, %c0_i32_0 : i32, i32, i32
  }
  func.func @transform_2(%arg0: i32) -> (i32, i32, i32) {
    %c0_i32 = arith.constant 0 : i32
    %c0_i32_0 = arith.constant 0 : i32
    %c0_i32_1 = arith.constant 0 : i32
    return %c0_i32, %arg0, %c0_i32_0 : i32, i32, i32
  }
  func.func @transform_3(%arg0: i32) -> (i32, i32) {
    %c0_i32 = arith.constant 0 : i32
    %c0_i32_0 = arith.constant 0 : i32
    return %arg0, %c0_i32 : i32, i32
  }
}

</mosaic_0001>

<sc_bundles>
// kernel: kernel.4.cloned.1.call-start
scs
__scs_entry_jumppad:
0x0: {  	(pc) =	sbr.rel $0x88, $3  }
0x1: {  	(tag) =	ssettag $0x0;
	lr =	simm.s32 $0x1  }
0x2: {  	[smem:$0x3F9E] =	sst lr;
	_ =	strace $0xD0000000  }
0x3: {  	_ = 	snop  }
0x4: {  	_ = 	snop  }
0x5: {  	_ = 	snop  }
0x6: {  	_ = 	snop  }
0x7: {  	_ = 	snop  }
__scs_overlays_trampoline_lowered:
0x8: {  	[smem:$0x3FAD] =	sst s0  }
0x9: {  	[smem:$0x3FAE] =	sst s1  }
0xa: {  	[smem:$0x3FAF] =	sst s2  }
0xb: {  	[smem:$0x3FB0] =	sst s3  }
0xc: {  	[smem:$0x3FB1] =	sst s4  }
0xd: {  	[smem:$0x3FB2] =	sst s5  }
0xe: {  	[smem:$0x3FB3] =	sst s6  }
0xf: {  	[smem:$0x3FB4] =	sst s7  }
0x10: {  	[smem:$0x3FB5] =	sst s8  }
0x11: {  	[smem:$0x3FB6] =	sst s9;
	s0 =	simm.s32 @!p0 $0x0  }
0x12: {  	s1 =	sld [smem:$0x3F9C];
	s0 =	simm.s32 @p0 $0x1  }
0x13: {  	[smem:$0x3FB7] =	sst s0;
	s0 =	simm.s32 @!p1 $0x0  }
0x14: {  	s2 =	sld [smem:$0x3F9B];
	s0 =	simm.s32 @p1 $0x1  }
0x15: {  	[smem:$0x3FB8] =	sst s0;
	s0 =	simm.s32 @!p2 $0x0  }
0x16: {  	s3 =	sld [smem:$0x3FDB];
	s0 =	simm.s32 @p2 $0x1  }
0x17: {  	s4 =	simm.s32 $0x1BF5;
	[smem:$0x3FBA] =	sst s0  }
0x18: {  	s0 =	sld [smem:$0x3F9D];
	_ =	swait.ge [sflag:s4], $0x0  }
0x19: {  	s7 =	sld [smem:$0x3F9E]  }
0x1a: {  	s8 =	sadd.s32 $0xFFFFE003, lr  }
0x1b: {  	s9 =	sadd.s32 $0xFFFFFEF7, lr;
	s5 =	simm.s32 $0xFFFFFFFF;
	p2 =	slt.u32 s8, $0xFFFFF086  }
0x1c: {  	p1 =	slt.u32 s9, $0xF7A;
	s5 =	simm.s32 @!p2 $0x0  }
0x1d: {  	s5 =	simm.s32 @p1 $0x1;
	p0 =	seq.s32 s7, s2  }
0x1e: {  	s7 =	smul.u32 @!p0 $0xF7A, s2;
	p2 =	seq.s32 @!p0 s5, $0x0  }
0x1f: {  	s9 =	smul.u32 $0xF7A, s1;
	s8 =	simm.s32 @!p0 $0x1BF5;
	p2 =	por !p2, p0  }
0x20: {  	[sflag:s8] =	ssyncset.s32 @!p0 $0xFFFFF086;
	s6 =	sadd.s32 @!p0 s3, s7;
	s7 =	simm.s32 @!p0 $0x108  }
0x21: {  	s3 =	sadd.s32 s3, s9;
	s6 =	sadd.s32 @!p0 $0x88, s6;
	s7 =	simm.s32 @p2 $0x1082  }
0x22: {  	[simem:s7], [sflag:s8] =	dma.local @!p0 [hbm:s6], $0xF7A  }
0x23: {  	s9 =	sor.u32 $0xD0000000, s2;
	s6 =	simm.s32 $0x108;
	_ =	swait.ge @!p0 [sflag:s8], $0x0  }
0x24: {  	s3 =	sadd.s32 $0x88, s3;
	s6 =	simm.s32 @!p1 $0x1082;
	[sflag:s4] =	ssyncset.s32 $0xFFFFF086  }
0x25: {  	[simem:s6], [sflag:s4] =	dma.local [hbm:s3], $0xF7A  }
0x26: {  	[smem:$0x3F9E] =	sst s1;
	(tag) =	ssettag s2;
	_ =	strace s9  }
0x27: {  	s1 =	sld [smem:$0x3FAE]  }
0x28: {  	s2 =	sld [smem:$0x3FAF]  }
0x29: {  	s4 =	sld [smem:$0x3FB1]  }
0x2a: {  	p0 =	seq.s32 s5, $0x0;
	s5 =	sld [smem:$0x3FB2]  }
0x2b: {  	s6 =	sld [smem:$0x3FB3]  }
0x2c: {  	s7 =	sld [smem:$0x3FB4]  }
0x2d: {  	s3 =	simm.s32 $0x108;
	s8 =	sld [smem:$0x3FB5]  }
0x2e: {  	s3 =	simm.s32 @!p0 $0x1082;
	s9 =	sld [smem:$0x3FB6]  }
0x2f: {  	lr =	sadd.s32 s0, s3;
	s0 =	sld [smem:$0x3FAD]  }
0x30: {  	s3 =	sld [smem:$0x3FB0]  }
0x31: {  	[smem:$0x3FB9] =	sst s10  }
0x32: {  	s10 =	sld [smem:$0x3FB7];
	_ =	sdelay $0x3  }
0x33: {  	p0 =	seq.s32 s10, $0x1;
	s10 =	sld [smem:$0x3FB9];
	_ =	sdelay $0x3  }
0x34: {  	[smem:$0x3FB9] =	sst s10  }
0x35: {  	s10 =	sld [smem:$0x3FB8];
	_ =	sdelay $0x3  }
0x36: {  	p1 =	seq.s32 s10, $0x1;
	s10 =	sld [smem:$0x3FB9];
	_ =	sdelay $0x3  }
0x37: {  	[smem:$0x3FB9] =	sst s10  }
0x38: {  	s10 =	sld [smem:$0x3FBA]  }
0x39: {  	_ = 	snop;
	(pc) =	sbr.ind lr, $3  }
0x3a: {  	_ = 	snop  }
0x3b: {  	_ = 	snop  }
0x3c: {  	p2 =	seq.s32 s10, $0x1;
	s10 =	sld [smem:$0x3FB9]  }
0x3d: {  	_ =	shalt  }
0x3e: {  	_ =	shalt  }
0x3f: {  	_ =	shalt  }
0x40: {  	_ =	shalt  }
0x41: {  	_ =	shalt  }
0x42: {  	_ =	shalt  }
0x43: {  	_ =	shalt  }
0x44: {  	_ =	shalt  }
0x45: {  	_ =	shalt  }
0x46: {  	_ =	shalt  }
0x47: {  	_ =	shalt  }
0x48: {  	_ =	shalt  }
0x49: {  	_ =	shalt  }
0x4a: {  	_ =	shalt  }
0x4b: {  	_ =	shalt  }
0x4c: {  	_ =	shalt  }
0x4d: {  	_ =	shalt  }
0x4e: {  	_ =	shalt  }
0x4f: {  	_ =	shalt  }
0x50: {  	_ =	shalt  }
0x51: {  	_ =	shalt  }
0x52: {  	_ =	shalt  }
0x53: {  	_ =	shalt  }
0x54: {  	_ =	shalt  }
0x55: {  	_ =	shalt  }
0x56: {  	_ =	shalt  }
0x57: {  	_ =	shalt  }
0x58: {  	_ =	shalt  }
0x59: {  	_ =	shalt  }
0x5a: {  	_ =	shalt  }
0x5b: {  	_ =	shalt  }
0x5c: {  	_ =	shalt  }
0x5d: {  	_ =	shalt  }
0x5e: {  	_ =	shalt  }
0x5f: {  	_ =	shalt  }
0x60: {  	_ =	shalt  }
0x61: {  	_ =	shalt  }
0x62: {  	_ =	shalt  }
0x63: {  	_ =	shalt  }
0x64: {  	_ =	shalt  }
0x65: {  	_ =	shalt  }
0x66: {  	_ =	shalt  }
0x67: {  	_ =	shalt  }
0x68: {  	_ =	shalt  }
0x69: {  	_ =	shalt  }
0x6a: {  	_ =	shalt  }
0x6b: {  	_ =	shalt  }
0x6c: {  	_ =	shalt  }
0x6d: {  	_ =	shalt  }
0x6e: {  	_ =	shalt  }
0x6f: {  	_ =	shalt  }
0x70: {  	_ =	shalt  }
0x71: {  	_ =	shalt  }
0x72: {  	_ =	shalt  }
0x73: {  	_ =	shalt  }
0x74: {  	_ =	shalt  }
0x75: {  	_ =	shalt  }
0x76: {  	_ =	shalt  }
0x77: {  	_ =	shalt  }
0x78: {  	_ =	shalt  }
0x79: {  	_ =	shalt  }
0x7a: {  	_ =	shalt  }
0x7b: {  	_ =	shalt  }
0x7c: {  	_ =	shalt  }
0x7d: {  	_ =	shalt  }
0x7e: {  	_ =	shalt  }
0x7f: {  	_ =	shalt  }
0x80: {  	_ =	shalt  }
0x81: {  	_ =	shalt  }
0x82: {  	_ =	shalt  }
0x83: {  	_ =	shalt  }
0x84: {  	_ =	shalt  }
0x85: {  	_ =	shalt  }
0x86: {  	_ =	shalt  }
0x87: {  	_ =	shalt  }
.Lfunc_end0:
.L_simem_size_0:
called_computation_lowered:
.L_overlay_start_0:
0x88: {  	s2 =	sld [smem:$0x3FD9]  }
0x89: {  	s3 =	sld [smem:$0x3FFE];
	_ =	sdelay $0x1  }
0x8a: {  	s1 =	srdreg.scid  }
0x8b: {  	s0 =	sand.u32 $0x1, s1  }
0x8c: {  	s17 =	sshll.u32 s0, $0xA;
	s2 =	sadd.s32 s3, s2  }
0x8d: {  	s2 =	sadd.s32 s2, s17  }
0x8e: {  	[smem:$0x3FC5] =	sst s2  }
0x8f: {  	_ = 	snop  }
0x90: {  	s2 =	sld [smem:$0x3FC9]  }
0x91: {  	s18 =	sld [smem:$0x3FD0];
	(tm) =	ssettm $0x1  }
0x92: {  	s4 =	sld [smem:$0x3FFB];
	_ =	sdelay $0x3  }
0x93: {  	_ =	strace s4  }
0x94: {  	s4 =	sld [smem:$0x3FFC];
	_ =	sdelay $0x3  }
0x95: {  	_ =	strace s4  }
0x96: {  	s4 =	sld [smem:$0x3FFD];
	_ =	sdelay $0x3  }
0x97: {  	_ =	strace s4  }
0x98: {  	_ =	strace $0x8FFFFFFF  }
0x99: {  	s19 =	sld [smem:$0x3FDB];
	_ =	sdelay $0x1  }
0x9a: {  	s5 =	simm.s32 $_scs_section_size  }
0x9b: {  	s6 =	simm.s32 $_size__tile_overlayer_lowered;
	s7 =	simm.s32 $_tile_overlayer_lowered  }
0x9c: {  	s22 =	simm.s32 $0x1BFF;
	s21 =	sshll.u32 s7, $0x1;
	s4 =	sadd.s32 s5, s19  }
0x9d: {  	s8 =	simm.s32 $0x0;
	s20 =	sshll.u32 s6, $0x1;
	s6 =	sadd.s32 s21, s4  }
0x9e: {  	[timem:s8], [sflag:s22] =	dma.local [hbm:s6], s20  }
0x9f: {  	_ =	swait.ge [sflag:s22], s20  }
0xa0: {  	s5 =	ssub.s32 $0x0, s20;
	[sflag:s22] =	ssyncset.done $0x0  }
0xa1: {  	[sflag:s22] =	ssyncadd.s32 s5;
	_ =	sdelay $0x1  }
0xa2: {  	s23 =	simm.s32 $0x1B8B  }
0xa3: {  	_ =	swait.ge [sflag:s23], $0x1  }
0xa4: {  	[sflag:s23] =	ssyncset.done $0x0  }
0xa5: {  	s25 =	simm.s32 $0x1B8E;
	s24 =	sld [smem:$0x3FFE];
	[sflag:s23] =	ssyncadd.s32 $0xFFFFFFFF  }
0xa6: {  	s26 =	simm.s32 $execute0_lowered;
	[smem:$0x3FD2] =	sst s25  }
0xa7: {  	s6 =	sshll.u32 s26, $0x1;
	_ =	strace $0x80000046;
	[dreg:$0x1] =	wrdreg $0xFFFFFFFF  }
0xa8: {  	s28 =	simm.s32 $_size_execute0_lowered;
	s4 =	sadd.s32 s4, s6;
	[dreg:$0x0] =	wrdreg $0x0  }
0xa9: {  	s6 =	sshll.u32 s28, $0x1;
	[dreg:$0x2] =	wrdreg s4  }
0xaa: {  	[dreg:$0x3] =	wrdreg s6  }
0xab: {  	[dreg:$0x4] =	wrdreg $0xC0  }
0xac: {  	_ =	task [dreg:s8], $0x5FFFF  }
0xad: {  	[dreg:$0x1] =	wrdreg $0xFFFFFFFF  }
0xae: {  	[dreg:$0x0] =	wrdreg $0x60  }
0xaf: {  	[dreg:$0x2] =	wrdreg s2  }
0xb0: {  	[dreg:$0x3] =	wrdreg s18  }
0xb1: {  	[dreg:$0x4] =	wrdreg s24  }
0xb2: {  	[dreg:$0x5] =	wrdreg $0xA2800  }
0xb3: {  	[dreg:$0x6] =	wrdreg $0x1DB000  }
0xb4: {  	[dreg:$0x7] =	wrdreg $0x9  }
0xb5: {  	_ =	task.clear_ibuf [dreg:s8], $0x8FFFF;
	_ =	strace $0x90000046  }
0xb6: {  	s29 =	simm.s32 $0x9;
	_ =	strace $0x80000048  }
0xb7: {  	_ =	swait.ge [sflag:s29], $0x1  }
0xb8: {  	[sflag:s29] =	ssyncadd.s32 $0xFFFFFFFF  }
0xb9: {  	_ =	strace $0x90000048  }
0xba: {  	_ =	sfence  }
0xbb: {  	s30 =	sld [smem:$0x0];
	_ =	sdelay $0x2  }
0xbc: {  	s31 =	sshll.u32 s1, $0xD;
	s1 =	sshrl.u32 s1, $0x2  }
0xbd: {  	s3 =	sand.u32 $0x4000, s31;
	s1 =	sadd.s32 s1, s30  }
0xbe: {  	s0 =	sor.u32 s3, s0;
	s1 =	sshll.u32 s1, $0x11  }
0xbf: {  	s0 =	sor.u32 s1, s0  }
0xc0: {  	s0 =	sadd.s32 $0x8F2B, s0  }
0xc1: {  	[sflag:s0] =	ssyncadd.remote.s32 $0x1  }
0xc2: {  	_ =	sfence.sel $0xFFFF  }
0xc3: {  	[dreg:$0x0] =	wrdreg $0xFFFFFFFF;
	(pc) =	sbr.abs _section_cstart, $3  }
0xc4: {  	[dreg:$0x1] =	wrdreg $0xFFFFFFFF  }
0xc5: {  	_ =	task.clear_ibuf [dreg:s8], $0x2FFFF;
	_ =	strace $0x9FFFFFFF  }
0xc6: {  	(tm) =	ssettm $0x7FFFFFFF  }
0xc7: {  	_ =	shalt  }
tec
execute0_lowered:
.L_overlay_start_1:
0x0: {  	(tag) =	ssettag $0x1  }
0x1: {  	s0 =	rddreg [dreg:$0x0]  }
0x2: {  	s2 =	rddreg [dreg:$0x1]  }
0x3: {  	s5 =	rddreg [dreg:$0x2]  }
0x4: {  	s1 =	rddreg [dreg:$0x3]  }
0x5: {  	s3 =	rddreg [dreg:$0x4];
	s15 =	stileid.u32  }
0x6: {  	s6 =	srdreg.scid;
	s4 =	simm.s32 $0x0;
	s14 =	smul.u32 $0x4F000, s15  }
0x7: {  	s6 =	sand.u32 $0x1, s6;
	s7 =	sshll.u32 s15, $0x1;
	s21 =	smul.u32 $0x13C00, s15  }
0x8: {  	[smem:$0x7FF] =	sst s4;
	s12 =	sadd.s32 $0x1400, s5;
	s23 =	smul.u32 $0x9E0, s15  }
0x9: {  	s24 =	smul.u32 $0xA00, s15;
	p0 =	seq.s32 s15, $0xF;
	p1 =	sne.s32 s15, $0xF  }
0xa: {  	s31 =	sadd.s32 $0x128400, s1;
	s7 =	sor.u32 s6, s7;
	s19 =	smul.u32 $0x138800, s6  }
0xb: {  	_ =	strace $0x80000047;
	s9 =	sshll.u32 s6, $0x4;
	s8 =	smul.u32 $0xA, s7  }
0xc: {  	s10 =	ssub.s32 $0x2, s6;
	p2 =	sne.s32 @p1 s15, $0x0;
	s11 =	smul.u32 $0x50, s7  }
0xd: {  	s5 =	sadd.s32 s9, s5;
	s26 =	sshrl.u32 s10, $0x1;
	s18 =	sshrl.u32 s14, $0x2  }
0xe: {  	s7 =	smul.u32 $0x500, s7;
	p2 =	por p2, !p1;
	s9 =	ssub.s32 s10, s26  }
0xf: {  	s26 =	smul.u32 $0x500, s6;
	s8 =	sadd.s32 s2, s8;
	s28 =	sadd.s32 $0xA00, s11  }
0x10: {  	s13 =	sadd.s32 $0x1400, s11;
	s11 =	sadd.s32 $0x1E00, s11;
	s7 =	sadd.s32 s0, s7  }
0x11: {  	[dreg:$0x6] =	wrdreg s8;
	s30 =	sshrl.u32 s28, $0x3;
	s8 =	sshll.u32 s28, $0x4  }
0x12: {  	s17 =	sshrl.u32 s11, $0x3;
	s20 =	sshll.u32 s11, $0x4;
	s11 =	sadd.s32 s18, s1  }
0x13: {  	[dreg:$0x10] =	wrdreg s7;
	s28 =	smul.u32 $0x14, s15;
	s18 =	sadd.s32 $0xA00, s5  }
0x14: {  	s7 =	sadd.s32 $0x132400, s1;
	s10 =	sadd.s32 s2, s30;
	[dreg:$0x14] =	wrdreg s18  }
0x15: {  	s15 =	simm.s32 $0x1;
	s8 =	sadd.s32 s0, s8;
	[dreg:$0x7] =	wrdreg s10  }
0x16: {  	s22 =	sadd.s32 $0x2800, s11;
	s14 =	sadd.s32 $0x5000, s11;
	[dreg:$0x8] =	wrdreg s8  }
0x17: {  	s30 =	sadd.s32 $0x7800, s11;
	s18 =	simm.s32 $0xA200;
	[dreg:$0xd] =	wrdreg s22  }
0x18: {  	s10 =	sshrl.u32 s13, $0x3;
	s13 =	sshll.u32 s13, $0x4;
	[dreg:$0xe] =	wrdreg s14  }
0x19: {  	[dreg:$0x11] =	wrdreg s30;
	s14 =	sshrl.u32 s23, $0x2;
	s22 =	sadd.s32 $0xF000, s11  }
0x1a: {  	s23 =	sadd.s32 $0x11800, s11;
	s30 =	sadd.s32 $0x12FC00, s1;
	[dreg:$0x18] =	wrdreg s22  }
0x1b: {  	s8 =	sadd.s32 s2, s10;
	s16 =	sadd.s32 s0, s13;
	[dreg:$0x19] =	wrdreg s23  }
0x1c: {  	s13 =	sadd.s32 s0, s20;
	s10 =	sshrl.u32 s19, $0x3;
	[dreg:$0x1e] =	wrdreg s30  }
0x1d: {  	s0 =	sadd.s32 s24, s0;
	s20 =	smax.u32 s9, $0x1;
	[dreg:$0x9] =	wrdreg s8  }
0x1e: {  	s9 =	sadd.s32 $0x134C00, s1;
	s22 =	simm.s32 $0x0;
	[dreg:$0xa] =	wrdreg s16  }
0x1f: {  	s8 =	sadd.s32 s2, s17;
	[dreg:$0xc] =	wrdreg s13;
	s25 =	sadd.s32 s12, s10  }
0x20: {  	s17 =	sadd.s32 s26, s0;
	s10 =	smul.u32 $0xA, s6;
	s2 =	sadd.s32 s28, s2  }
0x21: {  	s16 =	sadd.s32 $0xC800, s11;
	[dreg:$0x16] =	wrdreg s20;
	s26 =	sadd.s32 $0x12D400, s1  }
0x22: {  	s13 =	sadd.s32 $0x2708, s3;
	s20 =	simm.s32 $0x5;
	[dreg:$0xb] =	wrdreg s8  }
0x23: {  	s8 =	sadd.s32 s21, s19;
	[dreg:$0x13] =	wrdreg s16;
	s21 =	sadd.s32 s14, s3  }
0x24: {  	s19 =	sadd.s32 $0x25080, s25;
	s25 =	sadd.s32 $0x12AC00, s1;
	[dreg:$0x1c] =	wrdreg s26  }
0x25: {  	s14 =	simm.s32 $0x200;
	s16 =	simm.s32 $0x50;
	[dreg:$0x15] =	wrdreg s19  }
0x26: {  	s8 =	sshrl.u32 s8, $0x3;
	s24 =	sadd.s32 $0x200, s21;
	[dreg:$0x1b] =	wrdreg s25  }
0x27: {  	s0 =	sadd.s32 s10, s2;
	s28 =	sadd.s32 $0x80, s21;
	[dreg:$0x1a] =	wrdreg s24  }
0x28: {  	s29 =	sadd.s32 $0x180, s21;
	s8 =	sadd.s32 s12, s8;
	[dreg:$0x1d] =	wrdreg s28  }
0x29: {  	s10 =	sadd.s32 $0x137400, s1;
	s12 =	sadd.s32 $0xA000, s11;
	[dreg:$0xf] =	wrdreg s8  }
0x2a: {  	s19 =	simm.s32 $0x9;
	s0 =	sadd.s32 $0x8C0, s0;
	[dreg:$0x12] =	wrdreg s12  }
0x2b: {  	v0 =	vimm.f32 $0.0e+00;
	v1 =	vimm.f32 $1.000000000e+00;
	[dreg:$0x17] =	wrdreg s0;
	s8 =	sadd.s32 $0x100, s21;
	s12 =	sadd.s32 $0x2588, s3  }
.LBB2_1:
0x2c: {  	s0 =	rddreg [dreg:$0x6]  }
0x2d: {  	s26 =	rddreg [dreg:$0x7]  }
0x2e: {  	[tilespmem:s4], [sflag:$0x1] =	stream.linear.gather [hbm4b:s0+s4], $0x50, $0x38;
	[tilespmem:$0x1DD78] =	vst v63  }
0x2f: {  	s2 =	simm.s32 $0x80;
	s28 =	rddreg [dreg:$0x8]  }
0x30: {  	[tilespmem:s2], [sflag:$0x2] =	stream.linear.gather [hbm4b:s26+s4], $0x50, $0x38;
	[tilespmem:$0x1DD78] =	vst v63  }
0x31: {  	s30 =	simm.s32 $0x2A00;
	s5 =	rddreg [dreg:$0x9]  }
0x32: {  	[tilespmem:s30], [sflag:$0x2] =	stream.linear.gather [hbm4b:s28+s4], $0x2800, $0x38;
	[tilespmem:$0x1DD78] =	vst v63  }
0x33: {  	s6 =	simm.s32 $0x100;
	s23 =	rddreg [dreg:$0xa]  }
0x34: {  	[tilespmem:s6], [sflag:$0x3] =	stream.linear.gather [hbm4b:s5+s4], $0x50, $0x38;
	[tilespmem:$0x1DD78] =	vst v63  }
0x35: {  	s24 =	simm.s32 $0x5200;
	s25 =	rddreg [dreg:$0xb]  }
0x36: {  	[tilespmem:s24], [sflag:$0x3] =	stream.linear.gather [hbm4b:s23+s4], $0x2800, $0x38;
	[tilespmem:$0x1DD78] =	vst v63  }
0x37: {  	s26 =	simm.s32 $0x180;
	s28 =	rddreg [dreg:$0xc]  }
0x38: {  	[tilespmem:s26], [sflag:$0x4] =	stream.linear.gather [hbm4b:s25+s4], $0x50, $0x38;
	[tilespmem:$0x1DD78] =	vst v63  }
0x39: {  	s30 =	simm.s32 $0x7A00;
	s23 =	simm.s32 $0x0;
	s24 =	simm.s32 $0x200  }
0x3a: {  	[tilespmem:s30], [sflag:$0x4] =	stream.linear.gather [hbm4b:s28+s4], $0x2800, $0x38;
	[tilespmem:$0x1DD78] =	vst v63  }
.LBB2_2:
0x3b: {  	p3 =	sne.s32 s24, $0x9E00;
	[tilespmem:s23+$0x270] =	vst v0  }
0x3c: {  	[tilespmem:s23+$0x200] =	vst v0  }
0x3d: {  	[tilespmem:s23+$0x210] =	vst v0  }
.Ltmp0:
0x3e: {  	[tilespmem:s23+$0x220] =	vst v0;
	(pc) =	sbr.rel @p3 .LBB2_2-.Ltmp0, $4  }
0x3f: {  	[tilespmem:s23+$0x230] =	vst v0  }
0x40: {  	[tilespmem:s23+$0x240] =	vst v0  }
0x41: {  	[tilespmem:s23+$0x250] =	vst v0  }
0x42: {  	[tilespmem:s23+$0x260] =	vst v0;
	s23 =	sshra.s32 s24, $0x2;
	s24 =	sadd.s32 $0x200, s24  }
0x43: {  	[tilespmem:s23+$0x270] =	vst v0  }
0x44: {  	[tilespmem:s23+$0x200] =	vst v0  }
0x45: {  	[tilespmem:s23+$0x210] =	vst v0  }
0x46: {  	[tilespmem:s23+$0x220] =	vst v0  }
0x47: {  	[tilespmem:s23+$0x230] =	vst v0  }
0x48: {  	[tilespmem:s23+$0x240] =	vst v0  }
0x49: {  	[tilespmem:s23+$0x250] =	vst v0  }
0x4a: {  	[tilespmem:s23+$0x260] =	vst v0;
	s23 =	simm.s32 @p0 $0x200;
	s24 =	simm.s32 @p0 $0x9  }
0x4b: {  	[spmem:s31] =	stream.linear.scatter @p0 [tilespmem:s23], [sflag:$0x9], $0x2800, $0x38;
	[tilespmem:$0x1DD78] =	vst v63  }
0x4c: {  	_ =	swait.ge @p0 [sflag:s24], $0x2800  }
0x4d: {  	[sflag:s24] =	ssyncset.done @p0 $0x0  }
0x4e: {  	s0 =	rddreg [dreg:$0x1b];
	[sflag:s24] =	ssyncadd.s32 @p0 $0xFFFFD800  }
0x4f: {  	[spmem:s0] =	stream.linear.scatter @p0 [tilespmem:s23], [sflag:$0x9], $0x2800, $0x38;
	[tilespmem:$0x1DD78] =	vst v63  }
0x50: {  	_ =	swait.ge @p0 [sflag:s24], $0x2800  }
0x51: {  	[sflag:s24] =	ssyncset.done @p0 $0x0  }
0x52: {  	s0 =	rddreg [dreg:$0x1c];
	[sflag:s24] =	ssyncadd.s32 @p0 $0xFFFFD800  }
0x53: {  	[spmem:s0] =	stream.linear.scatter @p0 [tilespmem:s23], [sflag:$0x9], $0x2800, $0x38;
	[tilespmem:$0x1DD78] =	vst v63  }
0x54: {  	_ =	swait.ge @p0 [sflag:s24], $0x2800  }
0x55: {  	[sflag:s24] =	ssyncset.done @p0 $0x0  }
0x56: {  	s0 =	rddreg [dreg:$0x1e];
	[sflag:s24] =	ssyncadd.s32 @p0 $0xFFFFD800  }
0x57: {  	[spmem:s0] =	stream.linear.scatter @p0 [tilespmem:s23], [sflag:$0x9], $0x2800, $0x38;
	[tilespmem:$0x1DD78] =	vst v63  }
0x58: {  	_ =	swait.ge @p0 [sflag:s24], $0x2800  }
0x59: {  	[sflag:s24] =	ssyncset.done @p0 $0x0  }
0x5a: {  	[sflag:s24] =	ssyncadd.s32 @p0 $0xFFFFD800  }
0x5b: {  	[spmem:s7] =	stream.linear.scatter @p0 [tilespmem:s23], [sflag:$0x9], $0x2800, $0x38;
	[tilespmem:$0x1DD78] =	vst v63  }
0x5c: {  	_ =	swait.ge @p0 [sflag:s24], $0x2800  }
0x5d: {  	[sflag:s24] =	ssyncset.done @p0 $0x0  }
0x5e: {  	[sflag:s24] =	ssyncadd.s32 @p0 $0xFFFFD800  }
0x5f: {  	[spmem:s9] =	stream.linear.scatter @p0 [tilespmem:s23], [sflag:$0x9], $0x2800, $0x38;
	[tilespmem:$0x1DD78] =	vst v63  }
0x60: {  	_ =	swait.ge @p0 [sflag:s24], $0x2800  }
0x61: {  	[sflag:s24] =	ssyncset.done @p0 $0x0  }
0x62: {  	[sflag:s24] =	ssyncadd.s32 @p0 $0xFFFFD800  }
0x63: {  	[spmem:s10] =	stream.linear.scatter @p0 [tilespmem:s23], [sflag:$0x9], $0x1400, $0x38;
	[tilespmem:$0x1DD78] =	vst v63  }
0x64: {  	_ =	swait.ge @p0 [sflag:s24], $0x1400  }
0x65: {  	[sflag:s24] =	ssyncset.done @p0 $0x0  }
0x66: {  	[sflag:s24] =	ssyncadd.s32 @p0 $0xFFFFEC00  }
0x67: {  	[spmem:s21] =	stream.linear.scatter @p0 [tilespmem:s23], [sflag:$0x9], $0x80, $0x38;
	[tilespmem:$0x1DD78] =	vst v63  }
0x68: {  	_ =	swait.ge @p0 [sflag:s24], $0x80  }
0x69: {  	[sflag:s24] =	ssyncset.done @p0 $0x0  }
0x6a: {  	s23 =	simm.s32 @p0 $0x280;
	[sflag:s24] =	ssyncadd.s32 @p0 $0xFFFFFF80  }
0x6b: {  	[spmem:s12] =	stream.linear.scatter @p0 [tilespmem:s23], [sflag:$0x9], $0x80, $0x38;
	[tilespmem:$0x1DD78] =	vst v63  }
0x6c: {  	_ =	swait.ge @p0 [sflag:s24], $0x80  }
0x6d: {  	[sflag:s24] =	ssyncset.done @p0 $0x0  }
0x6e: {  	s23 =	simm.s32 @p0 $0x300;
	[sflag:s24] =	ssyncadd.s32 @p0 $0xFFFFFF80  }
0x6f: {  	[spmem:s8] =	stream.linear.scatter @p0 [tilespmem:s23], [sflag:$0x9], $0x80, $0x38;
	[tilespmem:$0x1DD78] =	vst v63  }
0x70: {  	_ =	swait.ge @p0 [sflag:s24], $0x80  }
0x71: {  	[sflag:s24] =	ssyncset.done @p0 $0x0  }
0x72: {  	s23 =	simm.s32 @p0 $0x380;
	[sflag:s24] =	ssyncadd.s32 @p0 $0xFFFFFF80  }
0x73: {  	[spmem:s29] =	stream.linear.scatter @p0 [tilespmem:s23], [sflag:$0x9], $0x80, $0x38;
	[tilespmem:$0x1DD78] =	vst v63  }
0x74: {  	_ =	swait.ge @p0 [sflag:s24], $0x80  }
0x75: {  	[sflag:s24] =	ssyncset.done @p0 $0x0  }
0x76: {  	s23 =	simm.s32 @p0 $0x400;
	[sflag:s24] =	ssyncadd.s32 @p0 $0xFFFFFF80  }
0x77: {  	[spmem:s13] =	stream.linear.scatter @p0 [tilespmem:s23], [sflag:$0x9], $0x8, $0x38;
	[tilespmem:$0x1DD78] =	vst v63  }
0x78: {  	_ =	swait.ge @p0 [sflag:s24], $0x8  }
0x79: {  	[sflag:s24] =	ssyncset.done @p0 $0x0  }
0x7a: {  	s23 =	simm.s32 @!p0 $0x200;
	[sflag:s24] =	ssyncadd.s32 @p0 $0xFFFFFFF8;
	s24 =	simm.s32 @!p0 $0x9  }
0x7b: {  	[spmem:s11] =	stream.linear.scatter @!p0 [tilespmem:s23], [sflag:$0x9], $0x2800, $0x38;
	[tilespmem:$0x1DD78] =	vst v63  }
0x7c: {  	_ =	swait.ge @!p0 [sflag:s24], $0x2800  }
0x7d: {  	[sflag:s24] =	ssyncset.done @!p0 $0x0  }
0x7e: {  	s0 =	rddreg [dreg:$0xd];
	[sflag:s24] =	ssyncadd.s32 @!p0 $0xFFFFD800  }
0x7f: {  	[spmem:s0] =	stream.linear.scatter @!p0 [tilespmem:s23], [sflag:$0x9], $0x2800, $0x38;
	[tilespmem:$0x1DD78] =	vst v63  }
0x80: {  	_ =	swait.ge @!p0 [sflag:s24], $0x2800  }
0x81: {  	[sflag:s24] =	ssyncset.done @!p0 $0x0  }
0x82: {  	s0 =	rddreg [dreg:$0xe];
	[sflag:s24] =	ssyncadd.s32 @!p0 $0xFFFFD800  }
0x83: {  	[spmem:s0] =	stream.linear.scatter @!p0 [tilespmem:s23], [sflag:$0x9], $0x2800, $0x38;
	[tilespmem:$0x1DD78] =	vst v63  }
0x84: {  	_ =	swait.ge @!p0 [sflag:s24], $0x2800  }
0x85: {  	[sflag:s24] =	ssyncset.done @!p0 $0x0  }
0x86: {  	s0 =	rddreg [dreg:$0x11];
	[sflag:s24] =	ssyncadd.s32 @!p0 $0xFFFFD800  }
0x87: {  	[spmem:s0] =	stream.linear.scatter @!p0 [tilespmem:s23], [sflag:$0x9], $0x2800, $0x38;
	[tilespmem:$0x1DD78] =	vst v63  }
0x88: {  	_ =	swait.ge @!p0 [sflag:s24], $0x2800  }
0x89: {  	[sflag:s24] =	ssyncset.done @!p0 $0x0  }
0x8a: {  	s0 =	rddreg [dreg:$0x12];
	[sflag:s24] =	ssyncadd.s32 @!p0 $0xFFFFD800  }
0x8b: {  	[spmem:s0] =	stream.linear.scatter @!p0 [tilespmem:s23], [sflag:$0x9], $0x2800, $0x38;
	[tilespmem:$0x1DD78] =	vst v63  }
0x8c: {  	_ =	swait.ge @!p0 [sflag:s24], $0x2800  }
0x8d: {  	[sflag:s24] =	ssyncset.done @!p0 $0x0  }
0x8e: {  	s0 =	rddreg [dreg:$0x13];
	[sflag:s24] =	ssyncadd.s32 @!p0 $0xFFFFD800  }
0x8f: {  	[spmem:s0] =	stream.linear.scatter @!p0 [tilespmem:s23], [sflag:$0x9], $0x2800, $0x38;
	[tilespmem:$0x1DD78] =	vst v63  }
0x90: {  	_ =	swait.ge @!p0 [sflag:s24], $0x2800  }
0x91: {  	[sflag:s24] =	ssyncset.done @!p0 $0x0  }
0x92: {  	s0 =	rddreg [dreg:$0x18];
	[sflag:s24] =	ssyncadd.s32 @!p0 $0xFFFFD800  }
0x93: {  	[spmem:s0] =	stream.linear.scatter @!p0 [tilespmem:s23], [sflag:$0x9], $0x2800, $0x38;
	[tilespmem:$0x1DD78] =	vst v63  }
0x94: {  	_ =	swait.ge @!p0 [sflag:s24], $0x2800  }
0x95: {  	[sflag:s24] =	ssyncset.done @!p0 $0x0  }
0x96: {  	s0 =	rddreg [dreg:$0x19];
	[sflag:s24] =	ssyncadd.s32 @!p0 $0xFFFFD800  }
0x97: {  	[spmem:s0] =	stream.linear.scatter @!p0 [tilespmem:s23], [sflag:$0x9], $0x2400, $0x38;
	[tilespmem:$0x1DD78] =	vst v63  }
0x98: {  	_ =	swait.ge @!p0 [sflag:s24], $0x2400  }
0x99: {  	[sflag:s24] =	ssyncset.done @!p0 $0x0  }
0x9a: {  	[sflag:s24] =	ssyncadd.s32 @!p0 $0xFFFFDC00  }
0x9b: {  	[spmem:s21] =	stream.linear.scatter @!p0 [tilespmem:s23], [sflag:$0x9], $0x80, $0x38;
	[tilespmem:$0x1DD78] =	vst v63  }
0x9c: {  	_ =	swait.ge @!p0 [sflag:s24], $0x80  }
0x9d: {  	[sflag:s24] =	ssyncset.done @!p0 $0x0  }
0x9e: {  	s23 =	simm.s32 @!p0 $0x280;
	s0 =	rddreg [dreg:$0x1d];
	[sflag:s24] =	ssyncadd.s32 @!p0 $0xFFFFFF80  }
0x9f: {  	[spmem:s0] =	stream.linear.scatter @!p0 [tilespmem:s23], [sflag:$0x9], $0x80, $0x38;
	[tilespmem:$0x1DD78] =	vst v63  }
0xa0: {  	_ =	swait.ge @!p0 [sflag:s24], $0x80  }
0xa1: {  	[sflag:s24] =	ssyncset.done @!p0 $0x0  }
0xa2: {  	s23 =	simm.s32 @!p0 $0x300;
	[sflag:s24] =	ssyncadd.s32 @!p0 $0xFFFFFF80  }
0xa3: {  	[spmem:s8] =	stream.linear.scatter @!p0 [tilespmem:s23], [sflag:$0x9], $0x80, $0x38;
	[tilespmem:$0x1DD78] =	vst v63  }
0xa4: {  	_ =	swait.ge @!p0 [sflag:s24], $0x80  }
0xa5: {  	[sflag:s24] =	ssyncset.done @!p0 $0x0  }
0xa6: {  	s23 =	simm.s32 @!p0 $0x380;
	[sflag:s24] =	ssyncadd.s32 @!p0 $0xFFFFFF80  }
0xa7: {  	[spmem:s29] =	stream.linear.scatter @!p0 [tilespmem:s23], [sflag:$0x9], $0x80, $0x38;
	[tilespmem:$0x1DD78] =	vst v63  }
0xa8: {  	_ =	swait.ge @!p0 [sflag:s24], $0x80  }
0xa9: {  	[sflag:s24] =	ssyncset.done @!p0 $0x0  }
0xaa: {  	s23 =	simm.s32 @!p0 $0x400;
	s0 =	rddreg [dreg:$0x1a];
	[sflag:s24] =	ssyncadd.s32 @!p0 $0xFFFFFF80  }
0xab: {  	[spmem:s0] =	stream.linear.scatter @!p0 [tilespmem:s23], [sflag:$0x9], $0x78, $0x38;
	[tilespmem:$0x1DD78] =	vst v63  }
0xac: {  	_ =	swait.ge @!p0 [sflag:s24], $0x78  }
0xad: {  	[sflag:s24] =	ssyncset.done @!p0 $0x0  }
0xae: {  	[sflag:s24] =	ssyncadd.s32 @!p0 $0xFFFFFF88  }
0xaf: {  	[tilespmem:$0xA200] =	vst v1  }
0xb0: {  	[tilespmem:$0xA210] =	vst v1  }
0xb1: {  	[tilespmem:$0xA220] =	vst v1  }
0xb2: {  	[tilespmem:$0xA230] =	vst v1  }
0xb3: {  	s23 =	simm.s32 $0x0;
	s30 =	rddreg [dreg:$0x10];
	[tilespmem:$0xA240] =	vst v1  }
0xb4: {  	[tilespmem:s14], [sflag:$0x1] =	stream.linear.gather [hbm4b:s30+s23], $0x2800, $0x38;
	[tilespmem:$0x1DD78] =	vst v63  }
0xb5: {  	[bflag:$0x0] =	sbarrier.arrive $0xFFFF  }
0xb6: {  	s24 =	simm.s32 $0x0;
	s25 =	rddreg [dreg:$0x17]  }
.LBB2_4:
0xb7: {  	_ =	swait.ge [sflag:s15], $0x50  }
0xb8: {  	[sflag:s15] =	ssyncset.done $0x0  }
0xb9: {  	[sflag:s15] =	ssyncadd.s32 $0xFFFFFFB0  }
0xba: {  	_ =	swait.ge [sflag:s15], $0x2800  }
0xbb: {  	[sflag:s15] =	ssyncset.done $0x0  }
0xbc: {  	[sflag:s15] =	ssyncadd.s32 $0xFFFFD800  }
0xbd: {  	[spmem:s3] =	stream.indirect.scatter.add.f32 [tilespmem:s18], [sflag:$0x5], $0x1, s4, s16, $0xb8;
	[tilespmem:$0x1DD78] =	vst v63  }
0xbe: {  	_ = 	snop  }
0xbf: {  	[spmem:s1] =	stream.indirect.scatter.add.f32 [tilespmem:s14], [sflag:$0x9], $0x80, s4, s16, $0xb8;
	[tilespmem:$0x1DD78] =	vst v63  }
0xc0: {  	_ =	swait.ge [sflag:s19], $0x2800  }
0xc1: {  	[sflag:s19] =	ssyncset.done $0x0  }
0xc2: {  	[sflag:s19] =	ssyncadd.s32 $0xFFFFD800  }
0xc3: {  	_ =	swait.ge [sflag:s20], $0x50  }
0xc4: {  	p3 =	seq.s32 s23, $0x4D8000;
	[sflag:s20] =	ssyncset.done $0x0  }
0xc5: {  	s26 =	sadd.s32 @!p3 $0xFFFFFC40, s25;
	s28 =	simm.s32 @!p3 $0x0;
	[sflag:s20] =	ssyncadd.s32 $0xFFFFFFB0  }
0xc6: {  	[tilespmem:s28], [sflag:$0x1] =	stream.linear.gather @!p3 [hbm4b:s26+s28], $0x50, $0x38;
	[tilespmem:$0x1DD78] =	vst v63  }
0xc7: {  	s26 =	sadd.s32 @!p3 s23, s17  }
0xc8: {  	s30 =	simm.s32 @!p3 $0x200;
	s26 =	sadd.s32 @!p3 $0x28000, s26  }
0xc9: {  	[tilespmem:s30], [sflag:$0x1] =	stream.linear.gather @!p3 [hbm4b:s26+s28], $0x2800, $0x38;
	[tilespmem:$0x1DD78] =	vst v63  }
0xca: {  	s26 =	simm.s32 @!p3 $0x2  }
0xcb: {  	_ =	swait.ge @!p3 [sflag:s26], $0x50  }
0xcc: {  	[sflag:s26] =	ssyncset.done @!p3 $0x0  }
0xcd: {  	[sflag:s26] =	ssyncadd.s32 @!p3 $0xFFFFFFB0  }
0xce: {  	_ =	swait.ge @!p3 [sflag:s26], $0x2800  }
0xcf: {  	s28 =	simm.s32 @!p3 $0x80;
	[sflag:s26] =	ssyncset.done @!p3 $0x0  }
0xd0: {  	s30 =	simm.s32 @!p3 $0xA200;
	[sflag:s26] =	ssyncadd.s32 @!p3 $0xFFFFD800;
	s26 =	simm.s32 @!p3 $0x50  }
0xd1: {  	[spmem:s3] =	stream.indirect.scatter.add.f32 @!p3 [tilespmem:s30], [sflag:$0x6], $0x1, s28, s26, $0xb8;
	[tilespmem:$0x1DD78] =	vst v63  }
0xd2: {  	s0 =	simm.s32 @!p3 $0x2A00  }
0xd3: {  	[spmem:s1] =	stream.indirect.scatter.add.f32 @!p3 [tilespmem:s0], [sflag:$0x9], $0x80, s28, s26, $0xb8;
	[tilespmem:$0x1DD78] =	vst v63  }
0xd4: {  	s0 =	simm.s32 @!p3 $0x9  }
0xd5: {  	_ =	swait.ge @!p3 [sflag:s0], $0x2800  }
0xd6: {  	[sflag:s0] =	ssyncset.done @!p3 $0x0  }
0xd7: {  	p4 =	sgt.u32 @!p3 s24, $0x1D;
	s28 =	simm.s32 @!p3 $0x6;
	[sflag:s0] =	ssyncadd.s32 @!p3 $0xFFFFD800  }
0xd8: {  	p4 =	por p4, p3;
	_ =	swait.ge @!p3 [sflag:s28], $0x50  }
0xd9: {  	s2 =	simm.s32 @!p4 $0x0;
	[sflag:s28] =	ssyncset.done @!p3 $0x0  }
0xda: {  	s5 =	simm.s32 @!p4 $0x80;
	[sflag:s28] =	ssyncadd.s32 @!p3 $0xFFFFFFB0;
	s28 =	sadd.s32 @!p4 $0xFFFFFD80, s25  }
0xdb: {  	[tilespmem:s5], [sflag:$0x2] =	stream.linear.gather @!p4 [hbm4b:s28+s2], $0x50, $0x38;
	[tilespmem:$0x1DD78] =	vst v63  }
0xdc: {  	s5 =	sadd.s32 @!p4 s23, s17  }
0xdd: {  	s6 =	simm.s32 @!p4 $0x2A00;
	s28 =	sadd.s32 @!p4 $0x32000, s5  }
0xde: {  	[tilespmem:s6], [sflag:$0x2] =	stream.linear.gather @!p4 [hbm4b:s28+s2], $0x2800, $0x38;
	[tilespmem:$0x1DD78] =	vst v63  }
0xdf: {  	s6 =	simm.s32 @!p3 $0x3  }
0xe0: {  	_ =	swait.ge @!p3 [sflag:s6], $0x50  }
0xe1: {  	[sflag:s6] =	ssyncset.done @!p3 $0x0  }
0xe2: {  	[sflag:s6] =	ssyncadd.s32 @!p3 $0xFFFFFFB0  }
0xe3: {  	_ =	swait.ge @!p3 [sflag:s6], $0x2800  }
0xe4: {  	[sflag:s6] =	ssyncset.done @!p3 $0x0  }
0xe5: {  	[sflag:s6] =	ssyncadd.s32 @!p3 $0xFFFFD800;
	s6 =	simm.s32 @!p3 $0x100  }
0xe6: {  	[spmem:s3] =	stream.indirect.scatter.add.f32 @!p3 [tilespmem:s30], [sflag:$0x7], $0x1, s6, s26, $0xb8;
	[tilespmem:$0x1DD78] =	vst v63  }
0xe7: {  	s28 =	simm.s32 @!p3 $0x5200  }
0xe8: {  	[spmem:s1] =	stream.indirect.scatter.add.f32 @!p3 [tilespmem:s28], [sflag:$0x9], $0x80, s6, s26, $0xb8;
	[tilespmem:$0x1DD78] =	vst v63  }
0xe9: {  	_ =	swait.ge @!p3 [sflag:s0], $0x2800  }
0xea: {  	[sflag:s0] =	ssyncset.done @!p3 $0x0  }
0xeb: {  	s6 =	simm.s32 @!p3 $0x7;
	[sflag:s0] =	ssyncadd.s32 @!p3 $0xFFFFD800  }
0xec: {  	_ =	swait.ge @!p3 [sflag:s6], $0x50  }
0xed: {  	[sflag:s6] =	ssyncset.done @!p3 $0x0  }
0xee: {  	s28 =	simm.s32 @!p4 $0x100;
	[sflag:s6] =	ssyncadd.s32 @!p3 $0xFFFFFFB0;
	s6 =	sadd.s32 @!p4 $0xFFFFFEC0, s25  }
0xef: {  	[tilespmem:s28], [sflag:$0x3] =	stream.linear.gather @!p4 [hbm4b:s6+s2], $0x50, $0x38;
	[tilespmem:$0x1DD78] =	vst v63  }
0xf0: {  	s6 =	sadd.s32 @!p4 $0x3C000, s5;
	s28 =	simm.s32 @!p4 $0x5200  }
0xf1: {  	[tilespmem:s28], [sflag:$0x3] =	stream.linear.gather @!p4 [hbm4b:s6+s2], $0x2800, $0x38;
	[tilespmem:$0x1DD78] =	vst v63  }
0xf2: {  	s6 =	simm.s32 @!p3 $0x4  }
0xf3: {  	_ =	swait.ge @!p3 [sflag:s6], $0x50  }
0xf4: {  	[sflag:s6] =	ssyncset.done @!p3 $0x0  }
0xf5: {  	[sflag:s6] =	ssyncadd.s32 @!p3 $0xFFFFFFB0  }
0xf6: {  	_ =	swait.ge @!p3 [sflag:s6], $0x2800  }
0xf7: {  	[sflag:s6] =	ssyncset.done @!p3 $0x0  }
0xf8: {  	[sflag:s6] =	ssyncadd.s32 @!p3 $0xFFFFD800;
	s6 =	simm.s32 @!p3 $0x180  }
0xf9: {  	[spmem:s3] =	stream.indirect.scatter.add.f32 @!p3 [tilespmem:s30], [sflag:$0x8], $0x1, s6, s26, $0xb8;
	[tilespmem:$0x1DD78] =	vst v63  }
0xfa: {  	s28 =	simm.s32 @!p3 $0x7A00  }
0xfb: {  	[spmem:s1] =	stream.indirect.scatter.add.f32 @!p3 [tilespmem:s28], [sflag:$0x9], $0x80, s6, s26, $0xb8;
	[tilespmem:$0x1DD78] =	vst v63  }
0xfc: {  	_ =	swait.ge @!p3 [sflag:s0], $0x2800  }
0xfd: {  	[sflag:s0] =	ssyncset.done @!p3 $0x0  }
0xfe: {  	[sflag:s0] =	ssyncadd.s32 @!p3 $0xFFFFD800;
	s0 =	simm.s32 @!p3 $0x8  }
0xff: {  	_ =	swait.ge @!p3 [sflag:s0], $0x50  }
0x100: {  	[sflag:s0] =	ssyncset.done @!p3 $0x0  }
0x101: {  	[sflag:s0] =	ssyncadd.s32 @!p3 $0xFFFFFFB0;
	s0 =	simm.s32 @!p4 $0x180  }
0x102: {  	[tilespmem:s0], [sflag:$0x4] =	stream.linear.gather @!p4 [hbm4b:s25+s2], $0x50, $0x38;
	[tilespmem:$0x1DD78] =	vst v63  }
0x103: {  	s23 =	sadd.s32 @!p3 $0x28000, s23;
	s0 =	sadd.s32 @!p4 $0x46000, s5;
	s5 =	simm.s32 @!p4 $0x7A00  }
0x104: {  	[tilespmem:s5], [sflag:$0x4] =	stream.linear.gather @!p4 [hbm4b:s0+s2], $0x2800, $0x38;
	[tilespmem:$0x1DD78] =	vst v63  }
0x105: {  	p4 =	sne.s32 @!p3 s23, $0x500000  }
0x106: {  	p4 =	por p3, !p4  }
.Ltmp1:
0x107: {  	_ = 	snop;
	(pc) =	sbr.rel @!p4 .LBB2_4-.Ltmp1, $2  }
0x108: {  	_ =	sdelay $0x2  }
0x109: {  	s24 =	sadd.s32 @!p3 $0x1, s24;
	s25 =	sadd.s32 @!p3 $0x500, s25  }
0x10a: {  	s0 =	stileid.u32  }
0x10b: {  	[bflag:$0x0] =	sbarrier.arrive $0xFFFF;
	s0 =	sshll.u32 @p1 s0, $0x6  }
0x10c: {  	s2 =	sshrl.u32 @p1 s11, $0x3;
	s5 =	rddreg [dreg:$0xf];
	s0 =	sor.u32 @p1 $0x1C09, s0  }
0x10d: {  	[hbm:s5], [sflag:s0] =	dma.local @p1 [spmem:s2], $0x2780  }
0x10e: {  	s0 =	simm.s32 @p1 $0x9  }
0x10f: {  	s6 =	simm.s32 @!p2 $0x10;
	s23 =	simm.s32 @!p2 $0x1C09;
	_ =	swait.ge @p1 [sflag:s0], $0x2780  }
0x110: {  	s2 =	simm.s32 @!p2 $0x1;
	s5 =	simm.s32 @!p2 $0x20;
	[sflag:s0] =	ssyncset.done @p1 $0x0  }
0x111: {  	s24 =	rddreg [dreg:$0x14];
	[sflag:s0] =	ssyncadd.s32 @p1 $0xFFFFD880;
	s0 =	sshrl.u32 @!p2 s3, $0x3  }
0x112: {  	[hbm:s24@s5], [sflag:s23] =	dma.strided @!p2 [spmem:s0@s6], $0x4F0, s2, $0x10   }
0x113: {  	s0 =	simm.s32 @!p2 $0x9  }
0x114: {  	_ =	swait.ge @!p2 [sflag:s0], $0x4F0  }
0x115: {  	s2 =	simm.s32 @!p1 $0x1FC9;
	[sflag:s0] =	ssyncset.done @!p2 $0x0  }
0x116: {  	s5 =	rddreg [dreg:$0x15];
	[sflag:s0] =	ssyncadd.s32 @!p2 $0xFFFFFB10;
	s0 =	sshrl.u32 @!p1 s31, $0x3  }
0x117: {  	[hbm:s5], [sflag:s2] =	dma.local @!p1 [spmem:s0], $0x2080  }
0x118: {  	s0 =	simm.s32 @!p1 $0x9  }
0x119: {  	_ =	swait.ge @!p1 [sflag:s0], $0x2080  }
0x11a: {  	s22 =	sadd.s32 $0x1, s22;
	s30 =	rddreg [dreg:$0x16]  }
0x11b: {  	p3 =	sne.s32 s22, s30  }
.Ltmp2:
0x11c: {  	_ = 	snop;
	(pc) =	sbr.rel @p3 .LBB2_1-.Ltmp2, $3  }
0x11d: {  	_ =	sdelay $0x1  }
0x11e: {  	[sflag:s0] =	ssyncset.done @!p1 $0x0  }
0x11f: {  	[sflag:s0] =	ssyncadd.s32 @!p1 $0xFFFFDF80  }
0x120: {  	_ =	sfence.sel $0x180000  }
0x121: {  	[bflag:$0x0] =	sbarrier.arrive $0xFFFF  }
0x122: {  	_ =	strace $0x90000047  }
0x123: {  	s0 =	stileid.u32;
	[bflag:$0x2] =	sbarrier.arrive $0xFFFF  }
0x124: {  	p0 =	sne.s32 s0, $0x0;
	s0 =	rddreg [dreg:$0x5]  }
0x125: {  	s0 =	sadd.s32 @!p0 $0x100000, s0  }
0x126: {  	[sflag:s0] =	ssyncadd.tile.s32 @!p0 $0x1;
	_ =	shalt  }
.Lfunc_end2:
_tile_overlayer_lowered:
.L_overlay_start_2:
0x127: {  	(tag) =	ssettag $0x2  }
0x128: {  	s0 =	rddreg [dreg:$0x0];
	s2 =	stileid.u32  }
0x129: {  	s1 =	rddreg [dreg:$0x1];
	p0 =	sne.s32 s2, $0x0  }
0x12a: {  	s3 =	rddreg [dreg:$0x2];
	[bflag:$0x3] =	sbarrier.arrive $0xFFFF;
	s2 =	simm.s32 @!p0 $0x1C09  }
0x12b: {  	[timem:s3], [sflag:s2] =	dma.local @!p0 [hbm:s0], s1  }
0x12c: {  	s0 =	simm.s32 @!p0 $0x9  }
0x12d: {  	_ =	swait.ge @!p0 [sflag:s0], s1  }
0x12e: {  	s1 =	ssub.s32 @!p0 $0x0, s1;
	[sflag:s0] =	ssyncset.done @!p0 $0x0  }
0x12f: {  	[sflag:s0] =	ssyncadd.s32 @!p0 s1  }
0x130: {  	[bflag:$0x3] =	sbarrier.arrive $0xFFFF  }
0x131: {  	_ =	shalt  }

</sc_bundles>
